<compile_context>
chip_gen: v7x
topology: tpu7x:2x2x1
jax: 0.10.2.dev20260603
libtpu: 0.0.44.dev20260713+nightly
codegen_flags: <defaults>
</compile_context>

<pallas_src>
import functools

import jax
import jax.numpy as jnp
import numpy as np
from jax import lax
from jax.experimental import pallas as pl
from jax.experimental.pallas import tpu as pltpu
from jax.experimental.pallas import tpu_sc as plsc

B = 4096
F = 26
V = 100000
D = 32
NF = F + 1
NI = NF * NF
GF = NF * D
NW = 32
N_IDX = B * F
ROWS_PER_W = N_IDX // NW
GW = 128
QR = F * V // 4
CHUNK = 832
RB = 5000
BT = 256


def _tc_repack(flat_tables):
    nblk = QR // RB

    def body(q0, q1, q2, q3, out_ref):
        out_ref[:, 0 * D:1 * D] = q0[...]
        out_ref[:, 1 * D:2 * D] = q1[...]
        out_ref[:, 2 * D:3 * D] = q2[...]
        out_ref[:, 3 * D:4 * D] = q3[...]

    qspec = lambda j: pl.BlockSpec((RB, D), lambda r, j=j: (j * nblk + r, 0))
    return pl.pallas_call(
        body,
        grid=(nblk,),
        in_specs=[qspec(0), qspec(1), qspec(2), qspec(3)],
        out_specs=pl.BlockSpec((RB, GW), lambda r: (r, 0)),
        out_shape=jax.ShapeDtypeStruct((QR, GW), jnp.float32),
    )(flat_tables, flat_tables, flat_tables, flat_tables)


def _sc_gather(table128, row_idx):
    mesh = plsc.VectorSubcoreMesh(core_axis_name="c", subcore_axis_name="s")

    @functools.partial(
        pl.kernel,
        mesh=mesh,
        out_type=jax.ShapeDtypeStruct((N_IDX, GW), jnp.float32),
        scratch_types=[
            pltpu.VMEM((ROWS_PER_W,), jnp.int32),
            pltpu.VMEM((CHUNK, GW), jnp.float32),
            pltpu.SemaphoreType.DMA,
        ],
    )
    def k(table_hbm, idx_hbm, out_hbm, idx_v, rows_v, sem):
        wid = lax.axis_index("s") * 2 + lax.axis_index("c")
        base = wid * ROWS_PER_W
        pltpu.sync_copy(idx_hbm.at[pl.ds(base, ROWS_PER_W)], idx_v)

        @pl.loop(0, ROWS_PER_W, step=CHUNK)
        def _(c):
            pltpu.async_copy(table_hbm.at[idx_v.at[pl.ds(c, CHUNK)]],
                             rows_v, sem).wait()
            pltpu.sync_copy(rows_v, out_hbm.at[pl.ds(base + c, CHUNK)])

    return k(table128, row_idx)


def _tc_body(dense_ref, emb_ref, q_ref, dw1_ref, db1_ref, dw2_ref, db2_ref,
             w1_ref, b1_ref, w2_ref, b2_ref, w3_ref, b3_ref, w4_ref, b4_ref,
             out_ref):
    h = jnp.maximum(jnp.dot(dense_ref[...], dw1_ref[...]) + db1_ref[...], 0.0)
    de = jnp.maximum(jnp.dot(h, dw2_ref[...]) + db2_ref[...], 0.0)
    e4 = emb_ref[...].reshape(BT, F, GW)
    qv = q_ref[...][:, :F].reshape(BT, F, 1)
    esel = sum(jnp.where(qv == k, e4[:, :, k * D:(k + 1) * D], 0.0)
               for k in range(GW // D))
    e3 = jnp.concatenate([de.reshape(BT, 1, D), esel], axis=1)
    g = e3.reshape(BT, GF)
    gt3 = g.T.reshape(NF, D, BT)
    rows = [jnp.sum(gt3 * gt3[n], axis=1) for n in range(NF)]
    inter = jnp.concatenate(rows, axis=0).T
    x = jnp.concatenate([g, inter], axis=1)
    dotf = functools.partial(jnp.dot, preferred_element_type=jnp.float32)
    bf = jnp.bfloat16
    z = jnp.maximum(dotf(x.astype(bf), w1_ref[...].astype(bf)) + b1_ref[...], 0.0)
    z = jnp.maximum(dotf(z.astype(bf), w2_ref[...].astype(bf)) + b2_ref[...], 0.0)
    z = jnp.maximum(dotf(z.astype(bf), w3_ref[...].astype(bf)) + b3_ref[...], 0.0)
    out_ref[...] = dotf(z.astype(bf), w4_ref[...].astype(bf)) + b4_ref[...]


def _tc_forward(dense_p, emb4, q, dw1t, db1, dw2t, db2, w1ext, ob1, ow2t, ob2,
                ow3t, ob3, ow4t, ob4, interpret=False):
    full = lambda shape: pl.BlockSpec(shape, lambda i: (0, 0))
    return pl.pallas_call(
        _tc_body,
        grid=(B // BT,),
        in_specs=[
            pl.BlockSpec((BT, 16), lambda i: (i, 0)),
            pl.BlockSpec((BT, F * GW), lambda i: (i, 0)),
            pl.BlockSpec((BT, 32), lambda i: (i, 0)),
            full((16, D)), full((1, D)),
            full((D, D)), full((1, D)),
            full((GF + NI, 512)), full((1, 512)),
            full((512, 256)), full((1, 256)),
            full((256, 128)), full((1, 128)),
            full((128, 1)), full((1, 1)),
        ],
        out_specs=pl.BlockSpec((BT, 1), lambda i: (i, 0)),
        out_shape=jax.ShapeDtypeStruct((B, 1), jnp.float32),
        interpret=interpret,
    )(dense_p, emb4, q, dw1t, db1, dw2t, db2, w1ext, ob1, ow2t, ob2,
      ow3t, ob3, ow4t, ob4)


def _prep(dense, dW1, db1, dW2, db2, oW1, ob1, oW2, ob2, oW3, ob3, oW4, ob4):
    dense_p = jnp.pad(dense, ((0, 0), (0, 16 - dense.shape[1])))
    dw1t = jnp.pad(dW1.T, ((0, 16 - dW1.shape[1]), (0, 0)))
    iu0, iu1 = np.triu_indices(NF, k=1)
    colmap = np.full((GF + NI,), GF + len(iu0), dtype=np.int32)
    colmap[:GF] = np.arange(GF)
    colmap[GF + iu0 * NF + iu1] = GF + np.arange(len(iu0))
    oW1z = jnp.concatenate([oW1, jnp.zeros((oW1.shape[0], 1), oW1.dtype)], 1)
    w1ext = jnp.take(oW1z, jnp.asarray(colmap), axis=1).T
    row = lambda v: v.reshape(1, -1)
    return (dense_p, dw1t, row(db1), dW2.T, row(db2), w1ext, row(ob1),
            oW2.T, row(ob2), oW3.T, row(ob3), oW4.T, row(ob4))


def kernel(dense, sparse_idx, tables, dW1, db1, dW2, db2, oW1, ob1, oW2, ob2,
           oW3, ob3, oW4, ob4):
    flat_tables = tables.reshape(F * V, D)
    table128 = _tc_repack(flat_tables)
    flat_idx = (sparse_idx
                + (jnp.arange(F, dtype=sparse_idx.dtype) * V)[None, :]
                ).reshape(-1)
    row_idx = flat_idx % QR
    q = jnp.pad((flat_idx // QR).reshape(B, F), ((0, 0), (0, 32 - F)))
    emb = _sc_gather(table128, row_idx)
    emb4 = emb.reshape(B, F * GW)
    (dense_p, dw1t, db1r, dw2t, db2r, w1ext, ob1r, ow2t, ob2r, ow3t, ob3r,
     ow4t, ob4r) = _prep(dense, dW1, db1, dW2, db2, oW1, ob1, oW2, ob2,
                         oW3, ob3, oW4, ob4)
    return _tc_forward(dense_p, emb4, q, dw1t, db1r, dw2t, db2r, w1ext, ob1r,
                       ow2t, ob2r, ow3t, ob3r, ow4t, ob4r)

# --- scband reference (transcript-rebuilt; emitter-appended) ---
"""Pipeline reference for scband-deep-learning-recommender-model-89824946029305 (READ-ONLY COPY).

The authoritative reference and input builder live on the scoring server;
editing this copy changes nothing except your own understanding.
"""

import jax, jax.numpy as jnp
import numpy as np

B = 4096
F = 26
V = 100000
D = 32
ND = 13
H = [512, 256, 128]


def setup_inputs(seed: int = 0) -> dict:
    key = jax.random.key(seed)
    ks = jax.random.split(key, 20)
    dense = jax.random.normal(ks[0], (B, ND), dtype=jnp.float32)
    sparse_idx = jax.random.randint(ks[1], (B, F), 0, V, dtype=jnp.int32)
    tables = jax.random.normal(ks[2], (F, V, D), dtype=jnp.float32) * 0.01
    dW1 = jax.random.normal(ks[3], (D, ND), dtype=jnp.float32) / np.sqrt(ND)
    db1 = jnp.zeros((D,), dtype=jnp.float32)
    dW2 = jax.random.normal(ks[4], (D, D), dtype=jnp.float32) / np.sqrt(D)
    db2 = jnp.zeros((D,), dtype=jnp.float32)
    num_pairs = F * (F + 1) // 2
    in_f = (F + 1) * D + num_pairs
    oW1 = jax.random.normal(ks[5], (H[0], in_f), dtype=jnp.float32) / np.sqrt(in_f)
    ob1 = jnp.zeros((H[0],), dtype=jnp.float32)
    oW2 = jax.random.normal(ks[6], (H[1], H[0]), dtype=jnp.float32) / np.sqrt(H[0])
    ob2 = jnp.zeros((H[1],), dtype=jnp.float32)
    oW3 = jax.random.normal(ks[7], (H[2], H[1]), dtype=jnp.float32) / np.sqrt(H[1])
    ob3 = jnp.zeros((H[2],), dtype=jnp.float32)
    oW4 = jax.random.normal(ks[8], (1, H[2]), dtype=jnp.float32) / np.sqrt(H[2])
    ob4 = jnp.zeros((1,), dtype=jnp.float32)
    return {"dense": dense, "sparse_idx": sparse_idx, "tables": tables,
            "dW1": dW1, "db1": db1, "dW2": dW2, "db2": db2,
            "oW1": oW1, "ob1": ob1, "oW2": oW2, "ob2": ob2,
            "oW3": oW3, "ob3": ob3, "oW4": oW4, "ob4": ob4}


def reference(dense, sparse_idx, tables, dW1, db1, dW2, db2, oW1, ob1, oW2, ob2, oW3, ob3, oW4, ob4):
    # dense arch: Linear(ND->D) + ReLU + Linear(D->D) + ReLU
    h = jax.nn.relu(dense @ dW1.T + db1)
    dense_emb = jax.nn.relu(h @ dW2.T + db2)
    # sparse arch: per-field embedding lookup (gather)
    flat_tables = tables.reshape(F * V, D)
    offsets = (jnp.arange(F, dtype=sparse_idx.dtype) * V)[None, :]
    emb = jnp.take(flat_tables, sparse_idx + offsets, axis=0)  # [B, F, D]
    embs = jnp.concatenate([dense_emb[:, None, :], emb], axis=1)  # [B, F+1, D]
    # pairwise dot interactions (bmm) + upper-triangle extraction
    inter = jnp.einsum('bnd,bmd->bnm', embs, embs)
    iu0, iu1 = jnp.triu_indices(F + 1, k=1)
    inter_flat = inter[:, iu0, iu1]  # [B, F*(F+1)/2]
    x = jnp.concatenate([embs.reshape(B, -1), inter_flat], axis=1)
    # over arch MLP
    x = jax.nn.relu(x @ oW1.T + ob1)
    x = jax.nn.relu(x @ oW2.T + ob2)
    x = jax.nn.relu(x @ oW3.T + ob3)
    logits = x @ oW4.T + ob4
    return logits

if __name__ == "__main__":
    import jax
    _d = setup_inputs()
    print(jax.jit(kernel)(*tuple(_d.values())))

</pallas_src>

<mosaic_0001>
#map = affine_map<(d0, d1) -> (0, 0)>
#map1 = affine_map<(d0, d1) -> (0)>
module attributes {stable_mosaic.version = 14 : i64} {
  func.func @k(%arg0: i32, %arg1: i32, %arg2: memref<650000x128xf32, #tpu.memory_space<hbm>>, %arg3: memref<106496xi32, #tpu.memory_space<hbm>>, %arg4: memref<106496x128xf32, #tpu.memory_space<hbm>>, %arg5: memref<3328xi32, #tpu.memory_space<vmem>>, %arg6: memref<832x128xf32, #tpu.memory_space<vmem>>, %arg7: memref<!tpu.dma_semaphore, #tpu.memory_space<semaphore_mem>>) attributes {dimension_semantics = [#tpu.dimension_semantics<core_parallel>, #tpu.dimension_semantics<subcore_parallel>], iteration_bounds = array<i64: 2, 16>, scalar_prefetch = 0 : i64, scratch_operands = 3 : i64, tpu.core_type = #tpu.core_type<sc_vector_subcore>, window_params = [{transform_indices = #map}, {transform_indices = #map1}, {transform_indices = #map}]} {
    %mul3A = arith.constant 2 : i32
    %mul3A_0 = arith.muli %arg1, %mul3A : i32
    %add3A = arith.addi %mul3A_0, %arg0 : i32
    %mul3A_1 = arith.constant 3328 : i32
    %mul3A_2 = arith.muli %add3A, %mul3A_1 : i32
    "tpu.region"() ({
      %run_scoped3A = tpu.sem_alloc : memref<!tpu.dma_semaphore, #tpu.memory_space<semaphore_mem>>
      %dma_start3A = tpu.memref_slice %arg3[%mul3A_2] : memref<106496xi32, #tpu.memory_space<hbm>> -> memref<3328xi32, #tpu.memory_space<hbm>>
      %dma_start3A_7 = tpu.memref_slice %arg3[%mul3A_2] : memref<106496xi32, #tpu.memory_space<hbm>> -> memref<3328xi32, #tpu.memory_space<hbm>>
      tpu.enqueue_dma source(%dma_start3A_7 : memref<3328xi32, #tpu.memory_space<hbm>>) target(%arg5 : memref<3328xi32, #tpu.memory_space<vmem>>) target_semaphore(%run_scoped3A : memref<!tpu.dma_semaphore, #tpu.memory_space<semaphore_mem>>)
      %dma_wait3A = tpu.memref_slice %arg3[%mul3A_2] : memref<106496xi32, #tpu.memory_space<hbm>> -> memref<3328xi32, #tpu.memory_space<hbm>>
      %dma_wait3A_8 = tpu.memref_slice %arg3[%mul3A_2] : memref<106496xi32, #tpu.memory_space<hbm>> -> memref<3328xi32, #tpu.memory_space<hbm>>
      tpu.wait_dma2 semaphore(%run_scoped3A : memref<!tpu.dma_semaphore, #tpu.memory_space<semaphore_mem>>) src(%dma_wait3A_8 : memref<3328xi32, #tpu.memory_space<hbm>>) dst(%arg5 : memref<3328xi32, #tpu.memory_space<vmem>>)
      tpu.yield
    }) : () -> ()
    %scan3A = arith.constant 0 : i32
    %scan3A_3 = arith.constant 4 : i32
    %scan3A_4 = arith.addi %scan3A, %scan3A_3 : i32
    %scan3A_5 = arith.constant 1 : i32
    scf.for %scan3A_7 = %scan3A to %scan3A_4 step %scan3A_5  : i32 {
      %mul3A_8 = arith.constant 832 : i32
      %mul3A_9 = arith.muli %scan3A_7, %mul3A_8 : i32
      %add3A_10 = arith.constant 0 : i32
      %add3A_11 = arith.addi %add3A_10, %mul3A_9 : i32
      %dma_start3A = tpu.memref_slice %arg5[%add3A_11] : memref<3328xi32, #tpu.memory_space<vmem>> -> memref<832xi32, #tpu.memory_space<vmem>>
      %dma_start3A_12 = arith.constant 0 : i32
      %dma_start3A_13 = arith.constant 0 : i32
      %dma_start3A_14 = tpu.memref_slice %arg2[%dma_start3A_12, %dma_start3A_13] : memref<650000x128xf32, #tpu.memory_space<hbm>> -> memref<650000x128xf32, #tpu.memory_space<hbm>>
      tpu.enqueue_indirect_dma source(%dma_start3A_14 : memref<650000x128xf32, #tpu.memory_space<hbm>>) target(%arg6 : memref<832x128xf32, #tpu.memory_space<vmem>>) offsets(%dma_start3A : memref<832xi32, #tpu.memory_space<vmem>>) semaphore(%arg7 : memref<!tpu.dma_semaphore, #tpu.memory_space<semaphore_mem>>)
      %dma_wait3A = tpu.memref_slice %arg5[%add3A_11] : memref<3328xi32, #tpu.memory_space<vmem>> -> memref<832xi32, #tpu.memory_space<vmem>>
      %dma_wait3A_15 = arith.constant 0 : i32
      %dma_wait3A_16 = arith.constant 0 : i32
      %dma_wait3A_17 = tpu.memref_slice %arg2[%dma_wait3A_15, %dma_wait3A_16] : memref<650000x128xf32, #tpu.memory_space<hbm>> -> memref<650000x128xf32, #tpu.memory_space<hbm>>
      tpu.wait_indirect_dma semaphore(%arg7 : memref<!tpu.dma_semaphore, #tpu.memory_space<semaphore_mem>>) src(%dma_wait3A_17 : memref<650000x128xf32, #tpu.memory_space<hbm>>) dst(%arg6 : memref<832x128xf32, #tpu.memory_space<vmem>>)
      %add3A_18 = arith.addi %mul3A_2, %add3A_11 : i32
      "tpu.region"() ({
        %run_scoped3A = tpu.sem_alloc : memref<!tpu.dma_semaphore, #tpu.memory_space<semaphore_mem>>
        %dma_start3A_19 = arith.constant 0 : i32
        %dma_start3A_20 = tpu.memref_slice %arg4[%add3A_18, %dma_start3A_19] : memref<106496x128xf32, #tpu.memory_space<hbm>> -> memref<832x128xf32, #tpu.memory_space<hbm>>
        %dma_start3A_21 = arith.constant 0 : i32
        %dma_start3A_22 = tpu.memref_slice %arg4[%add3A_18, %dma_start3A_21] : memref<106496x128xf32, #tpu.memory_space<hbm>> -> memref<832x128xf32, #tpu.memory_space<hbm>>
        tpu.enqueue_dma source(%arg6 : memref<832x128xf32, #tpu.memory_space<vmem>>) target(%dma_start3A_22 : memref<832x128xf32, #tpu.memory_space<hbm>>) target_semaphore(%run_scoped3A : memref<!tpu.dma_semaphore, #tpu.memory_space<semaphore_mem>>)
        %dma_wait3A_23 = arith.constant 0 : i32
        %dma_wait3A_24 = tpu.memref_slice %arg4[%add3A_18, %dma_wait3A_23] : memref<106496x128xf32, #tpu.memory_space<hbm>> -> memref<832x128xf32, #tpu.memory_space<hbm>>
        %dma_wait3A_25 = arith.constant 0 : i32
        %dma_wait3A_26 = tpu.memref_slice %arg4[%add3A_18, %dma_wait3A_25] : memref<106496x128xf32, #tpu.memory_space<hbm>> -> memref<832x128xf32, #tpu.memory_space<hbm>>
        tpu.wait_dma2 semaphore(%run_scoped3A : memref<!tpu.dma_semaphore, #tpu.memory_space<semaphore_mem>>) src(%arg6 : memref<832x128xf32, #tpu.memory_space<vmem>>) dst(%dma_wait3A_26 : memref<832x128xf32, #tpu.memory_space<hbm>>)
        tpu.yield
      }) : () -> ()
    }
    %scan3A_6 = arith.constant 4 : i32
    return
  }
}

module attributes {stable_mosaic.version = 14 : i64} {
  func.func @body(%arg0: i32, %arg1: memref<5000x32xf32, #tpu.memory_space<vmem>>, %arg2: memref<5000x32xf32, #tpu.memory_space<vmem>>, %arg3: memref<5000x32xf32, #tpu.memory_space<vmem>>, %arg4: memref<5000x32xf32, #tpu.memory_space<vmem>>, %arg5: memref<5000x128xf32, #tpu.memory_space<vmem>>) attributes {dimension_semantics = [#tpu.dimension_semantics<arbitrary>], iteration_bounds = array<i64: 130>, scalar_prefetch = 0 : i64, scratch_operands = 0 : i64, tpu.core_type = #tpu.core_type<tc>, window_params = [{transform_indices = @transform_0, window_bounds = array<i64: 5000, 32>}, {transform_indices = @transform_1, window_bounds = array<i64: 5000, 32>}, {transform_indices = @transform_2, window_bounds = array<i64: 5000, 32>}, {transform_indices = @transform_3, window_bounds = array<i64: 5000, 32>}, {transform_indices = @transform_4, window_bounds = array<i64: 5000, 128>}]} {
    %get3A = arith.constant 0 : index
    %get3A_0 = arith.constant 0 : index
    %get3A_1 = vector.load %arg1[%get3A, %get3A_0] : memref<5000x32xf32, #tpu.memory_space<vmem>>, vector<5000x32xf32>
    %swap3A = arith.constant 0 : index
    %swap3A_2 = arith.constant 0 : index
    %swap3A_3 = vector.load %arg5[%swap3A, %swap3A_2] : memref<5000x128xf32, #tpu.memory_space<vmem>>, vector<5000x32xf32>
    tpu.vector_store %arg5[%swap3A, %swap3A_2], %get3A_1 {strides = array<i32>} : memref<5000x128xf32, #tpu.memory_space<vmem>>, vector<5000x32xf32>,
    %get3A_4 = arith.constant 0 : index
    %get3A_5 = arith.constant 0 : index
    %get3A_6 = vector.load %arg2[%get3A_4, %get3A_5] : memref<5000x32xf32, #tpu.memory_space<vmem>>, vector<5000x32xf32>
    %swap3A_7 = arith.constant 0 : index
    %swap3A_8 = arith.constant 32 : index
    %swap3A_9 = vector.load %arg5[%swap3A_7, %swap3A_8] : memref<5000x128xf32, #tpu.memory_space<vmem>>, vector<5000x32xf32>
    tpu.vector_store %arg5[%swap3A_7, %swap3A_8], %get3A_6 {strides = array<i32>} : memref<5000x128xf32, #tpu.memory_space<vmem>>, vector<5000x32xf32>,
    %get3A_10 = arith.constant 0 : index
    %get3A_11 = arith.constant 0 : index
    %get3A_12 = vector.load %arg3[%get3A_10, %get3A_11] : memref<5000x32xf32, #tpu.memory_space<vmem>>, vector<5000x32xf32>
    %swap3A_13 = arith.constant 0 : index
    %swap3A_14 = arith.constant 64 : index
    %swap3A_15 = vector.load %arg5[%swap3A_13, %swap3A_14] : memref<5000x128xf32, #tpu.memory_space<vmem>>, vector<5000x32xf32>
    tpu.vector_store %arg5[%swap3A_13, %swap3A_14], %get3A_12 {strides = array<i32>} : memref<5000x128xf32, #tpu.memory_space<vmem>>, vector<5000x32xf32>,
    %get3A_16 = arith.constant 0 : index
    %get3A_17 = arith.constant 0 : index
    %get3A_18 = vector.load %arg4[%get3A_16, %get3A_17] : memref<5000x32xf32, #tpu.memory_space<vmem>>, vector<5000x32xf32>
    %swap3A_19 = arith.constant 0 : index
    %swap3A_20 = arith.constant 96 : index
    %swap3A_21 = vector.load %arg5[%swap3A_19, %swap3A_20] : memref<5000x128xf32, #tpu.memory_space<vmem>>, vector<5000x32xf32>
    tpu.vector_store %arg5[%swap3A_19, %swap3A_20], %get3A_18 {strides = array<i32>} : memref<5000x128xf32, #tpu.memory_space<vmem>>, vector<5000x32xf32>,
    return
  }
  func.func @transform_0(%arg0: i32) -> (i32, i32) {
    %add3A = arith.constant 0 : i32
    %add3A_0 = arith.addi %add3A, %arg0 : i32
    %c0_i32 = arith.constant 0 : i32
    %c0_i32_1 = arith.constant 0 : i32
    return %add3A_0, %c0_i32 : i32, i32
  }
  func.func @transform_1(%arg0: i32) -> (i32, i32) {
    %add3A = arith.constant 130 : i32
    %add3A_0 = arith.addi %add3A, %arg0 : i32
    %c0_i32 = arith.constant 0 : i32
    %c0_i32_1 = arith.constant 0 : i32
    return %add3A_0, %c0_i32 : i32, i32
  }
  func.func @transform_2(%arg0: i32) -> (i32, i32) {
    %add3A = arith.constant 260 : i32
    %add3A_0 = arith.addi %add3A, %arg0 : i32
    %c0_i32 = arith.constant 0 : i32
    %c0_i32_1 = arith.constant 0 : i32
    return %add3A_0, %c0_i32 : i32, i32
  }
  func.func @transform_3(%arg0: i32) -> (i32, i32) {
    %add3A = arith.constant 390 : i32
    %add3A_0 = arith.addi %add3A, %arg0 : i32
    %c0_i32 = arith.constant 0 : i32
    %c0_i32_1 = arith.constant 0 : i32
    return %add3A_0, %c0_i32 : i32, i32
  }
  func.func @transform_4(%arg0: i32) -> (i32, i32) {
    %c0_i32 = arith.constant 0 : i32
    %c0_i32_0 = arith.constant 0 : i32
    return %arg0, %c0_i32 : i32, i32
  }
}

module attributes {stable_mosaic.version = 14 : i64} {
  func.func @_tc_body(%arg0: i32, %arg1: memref<256x16xf32, #tpu.memory_space<vmem>>, %arg2: memref<256x3328xf32, #tpu.memory_space<vmem>>, %arg3: memref<256x32xi32, #tpu.memory_space<vmem>>, %arg4: memref<16x32xf32, #tpu.memory_space<vmem>>, %arg5: memref<1x32xf32, #tpu.memory_space<vmem>>, %arg6: memref<32x32xf32, #tpu.memory_space<vmem>>, %arg7: memref<1x32xf32, #tpu.memory_space<vmem>>, %arg8: memref<1593x512xf32, #tpu.memory_space<vmem>>, %arg9: memref<1x512xf32, #tpu.memory_space<vmem>>, %arg10: memref<512x256xf32, #tpu.memory_space<vmem>>, %arg11: memref<1x256xf32, #tpu.memory_space<vmem>>, %arg12: memref<256x128xf32, #tpu.memory_space<vmem>>, %arg13: memref<1x128xf32, #tpu.memory_space<vmem>>, %arg14: memref<128x1xf32, #tpu.memory_space<vmem>>, %arg15: memref<1x1xf32, #tpu.memory_space<vmem>>, %arg16: memref<256x1xf32, #tpu.memory_space<vmem>>) attributes {dimension_semantics = [#tpu.dimension_semantics<arbitrary>], iteration_bounds = array<i64: 16>, scalar_prefetch = 0 : i64, scratch_operands = 0 : i64, tpu.core_type = #tpu.core_type<tc>, window_params = [{transform_indices = @transform_0, window_bounds = array<i64: 256, 16>}, {transform_indices = @transform_1, window_bounds = array<i64: 256, 3328>}, {transform_indices = @transform_2, window_bounds = array<i64: 256, 32>}, {pipeline_mode = #tpu.pipeline_mode<synchronous>, transform_indices = @transform_3, window_bounds = array<i64: 16, 32>}, {pipeline_mode = #tpu.pipeline_mode<synchronous>, transform_indices = @transform_4, window_bounds = array<i64: 1, 32>}, {pipeline_mode = #tpu.pipeline_mode<synchronous>, transform_indices = @transform_5, window_bounds = array<i64: 32, 32>}, {pipeline_mode = #tpu.pipeline_mode<synchronous>, transform_indices = @transform_6, window_bounds = array<i64: 1, 32>}, {pipeline_mode = #tpu.pipeline_mode<synchronous>, transform_indices = @transform_7, window_bounds = array<i64: 1593, 512>}, {pipeline_mode = #tpu.pipeline_mode<synchronous>, transform_indices = @transform_8, window_bounds = array<i64: 1, 512>}, {pipeline_mode = #tpu.pipeline_mode<synchronous>, transform_indices = @transform_9, window_bounds = array<i64: 512, 256>}, {pipeline_mode = #tpu.pipeline_mode<synchronous>, transform_indices = @transform_10, window_bounds = array<i64: 1, 256>}, {pipeline_mode = #tpu.pipeline_mode<synchronous>, transform_indices = @transform_11, window_bounds = array<i64: 256, 128>}, {pipeline_mode = #tpu.pipeline_mode<synchronous>, transform_indices = @transform_12, window_bounds = array<i64: 1, 128>}, {pipeline_mode = #tpu.pipeline_mode<synchronous>, transform_indices = @transform_13, window_bounds = array<i64: 128, 1>}, {pipeline_mode = #tpu.pipeline_mode<synchronous>, transform_indices = @transform_14, window_bounds = array<i64: 1, 1>}, {transform_indices = @transform_15, window_bounds = array<i64: 256, 1>}]} {
    %get3A = arith.constant 0 : index
    %get3A_0 = arith.constant 0 : index
    %get3A_1 = vector.load %arg1[%get3A, %get3A_0] : memref<256x16xf32, #tpu.memory_space<vmem>>, vector<256x16xf32>
    %get3A_2 = arith.constant 0 : index
    %get3A_3 = arith.constant 0 : index
    %get3A_4 = vector.load %arg4[%get3A_2, %get3A_3] : memref<16x32xf32, #tpu.memory_space<vmem>>, vector<16x32xf32>
    %dot_general3A = arith.constant dense<0.000000e+00> : vector<256x32xf32>
    %dot_general3A_5 = tpu.matmul %get3A_1, %get3A_4, %dot_general3A {dimension_numbers = #tpu.dot_dimension_numbers<[1], [0], [0], [1], [0, 0, 1, 1], [], []>, transpose_lhs_hint = false} : vector<256x16xf32>, vector<16x32xf32>, vector<256x32xf32> -> vector<256x32xf32>
    %get3A_6 = arith.constant 0 : index
    %get3A_7 = arith.constant 0 : index
    %get3A_8 = vector.load %arg5[%get3A_6, %get3A_7] : memref<1x32xf32, #tpu.memory_space<vmem>>, vector<1x32xf32>
    %add3A = vector.broadcast %get3A_8 : vector<1x32xf32> to vector<256x32xf32>
    %add3A_9 = arith.addf %dot_general3A_5, %add3A : vector<256x32xf32>
    %max3A = arith.constant 0.000000e+00 : f32
    %max3A_10 = vector.broadcast %max3A : f32 to vector<256x32xf32>
    %max3A_11 = arith.maximumf %add3A_9, %max3A_10 : vector<256x32xf32>
    %get3A_12 = arith.constant 0 : index
    %get3A_13 = arith.constant 0 : index
    %get3A_14 = vector.load %arg6[%get3A_12, %get3A_13] : memref<32x32xf32, #tpu.memory_space<vmem>>, vector<32x32xf32>
    %dot_general3A_15 = arith.constant dense<0.000000e+00> : vector<256x32xf32>
    %dot_general3A_16 = tpu.matmul %max3A_11, %get3A_14, %dot_general3A_15 {dimension_numbers = #tpu.dot_dimension_numbers<[1], [0], [0], [1], [0, 0, 1, 1], [], []>, transpose_lhs_hint = false} : vector<256x32xf32>, vector<32x32xf32>, vector<256x32xf32> -> vector<256x32xf32>
    %get3A_17 = arith.constant 0 : index
    %get3A_18 = arith.constant 0 : index
    %get3A_19 = vector.load %arg7[%get3A_17, %get3A_18] : memref<1x32xf32, #tpu.memory_space<vmem>>, vector<1x32xf32>
    %add3A_20 = vector.broadcast %get3A_19 : vector<1x32xf32> to vector<256x32xf32>
    %add3A_21 = arith.addf %dot_general3A_16, %add3A_20 : vector<256x32xf32>
    %max3A_22 = arith.constant 0.000000e+00 : f32
    %max3A_23 = vector.broadcast %max3A_22 : f32 to vector<256x32xf32>
    %max3A_24 = arith.maximumf %add3A_21, %max3A_23 : vector<256x32xf32>
    %get3A_25 = arith.constant 0 : index
    %get3A_26 = arith.constant 0 : index
    %get3A_27 = vector.load %arg2[%get3A_25, %get3A_26] : memref<256x3328xf32, #tpu.memory_space<vmem>>, vector<256x3328xf32>
    %reshape3A = vector.shape_cast %get3A_27 : vector<256x3328xf32> to vector<256x26x128xf32>
    %get3A_28 = arith.constant 0 : index
    %get3A_29 = arith.constant 0 : index
    %get3A_30 = vector.load %arg3[%get3A_28, %get3A_29] : memref<256x32xi32, #tpu.memory_space<vmem>>, vector<256x32xi32>
    %slice3A = vector.extract_strided_slice %get3A_30 {offsets = [0, 0], sizes = [256, 26], strides = [1, 1]} : vector<256x32xi32> to vector<256x26xi32>
    %reshape3A_31 = vector.shape_cast %slice3A : vector<256x26xi32> to vector<256x26x1xi32>
    %eq3A = arith.constant 0 : i32
    %eq3A_32 = vector.broadcast %eq3A : i32 to vector<256x26x1xi32>
    %eq3A_33 = arith.cmpi eq, %reshape3A_31, %eq3A_32 : vector<256x26x1xi32>
    %slice3A_34 = vector.extract_strided_slice %reshape3A {offsets = [0, 0, 0], sizes = [256, 26, 32], strides = [1, 1, 1]} : vector<256x26x128xf32> to vector<256x26x32xf32>
    %jit3A = arith.constant 0.000000e+00 : f32
    %broadcast_in_dim3A = vector.shape_cast %eq3A_33 : vector<256x26x1xi1> to vector<256x26x1xi1>
    %broadcast_in_dim3A_35 = vector.broadcast %broadcast_in_dim3A : vector<256x26x1xi1> to vector<256x26x32xi1>
    %broadcast_in_dim3A_36 = vector.broadcast %jit3A : f32 to vector<256x26x32xf32>
    %select_n3A = arith.select %broadcast_in_dim3A_35, %slice3A_34, %broadcast_in_dim3A_36 : vector<256x26x32xi1>, vector<256x26x32xf32>
    %add3A_37 = arith.constant 0.000000e+00 : f32
    %add3A_38 = vector.broadcast %add3A_37 : f32 to vector<256x26x32xf32>
    %add3A_39 = arith.addf %add3A_38, %select_n3A : vector<256x26x32xf32>
    %eq3A_40 = arith.constant 1 : i32
    %eq3A_41 = vector.broadcast %eq3A_40 : i32 to vector<256x26x1xi32>
    %eq3A_42 = arith.cmpi eq, %reshape3A_31, %eq3A_41 : vector<256x26x1xi32>
    %slice3A_43 = vector.extract_strided_slice %reshape3A {offsets = [0, 0, 32], sizes = [256, 26, 32], strides = [1, 1, 1]} : vector<256x26x128xf32> to vector<256x26x32xf32>
    %jit3A_44 = arith.constant 0.000000e+00 : f32
    %broadcast_in_dim3A_45 = vector.shape_cast %eq3A_42 : vector<256x26x1xi1> to vector<256x26x1xi1>
    %broadcast_in_dim3A_46 = vector.broadcast %broadcast_in_dim3A_45 : vector<256x26x1xi1> to vector<256x26x32xi1>
    %broadcast_in_dim3A_47 = vector.broadcast %jit3A_44 : f32 to vector<256x26x32xf32>
    %select_n3A_48 = arith.select %broadcast_in_dim3A_46, %slice3A_43, %broadcast_in_dim3A_47 : vector<256x26x32xi1>, vector<256x26x32xf32>
    %add3A_49 = arith.addf %add3A_39, %select_n3A_48 : vector<256x26x32xf32>
    %eq3A_50 = arith.constant 2 : i32
    %eq3A_51 = vector.broadcast %eq3A_50 : i32 to vector<256x26x1xi32>
    %eq3A_52 = arith.cmpi eq, %reshape3A_31, %eq3A_51 : vector<256x26x1xi32>
    %slice3A_53 = vector.extract_strided_slice %reshape3A {offsets = [0, 0, 64], sizes = [256, 26, 32], strides = [1, 1, 1]} : vector<256x26x128xf32> to vector<256x26x32xf32>
    %jit3A_54 = arith.constant 0.000000e+00 : f32
    %broadcast_in_dim3A_55 = vector.shape_cast %eq3A_52 : vector<256x26x1xi1> to vector<256x26x1xi1>
    %broadcast_in_dim3A_56 = vector.broadcast %broadcast_in_dim3A_55 : vector<256x26x1xi1> to vector<256x26x32xi1>
    %broadcast_in_dim3A_57 = vector.broadcast %jit3A_54 : f32 to vector<256x26x32xf32>
    %select_n3A_58 = arith.select %broadcast_in_dim3A_56, %slice3A_53, %broadcast_in_dim3A_57 : vector<256x26x32xi1>, vector<256x26x32xf32>
    %add3A_59 = arith.addf %add3A_49, %select_n3A_58 : vector<256x26x32xf32>
    %eq3A_60 = arith.constant 3 : i32
    %eq3A_61 = vector.broadcast %eq3A_60 : i32 to vector<256x26x1xi32>
    %eq3A_62 = arith.cmpi eq, %reshape3A_31, %eq3A_61 : vector<256x26x1xi32>
    %slice3A_63 = vector.extract_strided_slice %reshape3A {offsets = [0, 0, 96], sizes = [256, 26, 32], strides = [1, 1, 1]} : vector<256x26x128xf32> to vector<256x26x32xf32>
    %jit3A_64 = arith.constant 0.000000e+00 : f32
    %broadcast_in_dim3A_65 = vector.shape_cast %eq3A_62 : vector<256x26x1xi1> to vector<256x26x1xi1>
    %broadcast_in_dim3A_66 = vector.broadcast %broadcast_in_dim3A_65 : vector<256x26x1xi1> to vector<256x26x32xi1>
    %broadcast_in_dim3A_67 = vector.broadcast %jit3A_64 : f32 to vector<256x26x32xf32>
    %select_n3A_68 = arith.select %broadcast_in_dim3A_66, %slice3A_63, %broadcast_in_dim3A_67 : vector<256x26x32xi1>, vector<256x26x32xf32>
    %add3A_69 = arith.addf %add3A_59, %select_n3A_68 : vector<256x26x32xf32>
    %reshape3A_70 = vector.shape_cast %max3A_24 : vector<256x32xf32> to vector<256x1x32xf32>
    %concatenate3A = tpu.concatenate %reshape3A_70, %add3A_69 in 1 : vector<256x1x32xf32>, vector<256x26x32xf32> -> vector<256x27x32xf32>
    %reshape3A_71 = vector.shape_cast %concatenate3A : vector<256x27x32xf32> to vector<256x864xf32>
    %transpose3A = tpu.transpose %reshape3A_71, [1, 0] : vector<256x864xf32> -> vector<864x256xf32>
    %reshape3A_72 = vector.shape_cast %transpose3A : vector<864x256xf32> to vector<27x32x256xf32>
    %slice3A_73 = vector.extract_strided_slice %reshape3A_72 {offsets = [0, 0, 0], sizes = [1, 32, 256], strides = [1, 1, 1]} : vector<27x32x256xf32> to vector<1x32x256xf32>
    %squeeze3A = vector.shape_cast %slice3A_73 : vector<1x32x256xf32> to vector<32x256xf32>
    %broadcast_in_dim3A_74 = vector.shape_cast %squeeze3A : vector<32x256xf32> to vector<1x32x256xf32>
    %mul3A = vector.broadcast %broadcast_in_dim3A_74 : vector<1x32x256xf32> to vector<27x32x256xf32>
    %mul3A_75 = arith.mulf %reshape3A_72, %mul3A : vector<27x32x256xf32>
    %reduce_sum3A = arith.constant dense<0.000000e+00> : vector<27x256xf32>
    %reduce_sum3A_76 = vector.multi_reduction <add>, %mul3A_75, %reduce_sum3A [1] : vector<27x32x256xf32> to vector<27x256xf32>
    %slice3A_77 = vector.extract_strided_slice %reshape3A_72 {offsets = [1, 0, 0], sizes = [1, 32, 256], strides = [1, 1, 1]} : vector<27x32x256xf32> to vector<1x32x256xf32>
    %squeeze3A_78 = vector.shape_cast %slice3A_77 : vector<1x32x256xf32> to vector<32x256xf32>
    %broadcast_in_dim3A_79 = vector.shape_cast %squeeze3A_78 : vector<32x256xf32> to vector<1x32x256xf32>
    %mul3A_80 = vector.broadcast %broadcast_in_dim3A_79 : vector<1x32x256xf32> to vector<27x32x256xf32>
    %mul3A_81 = arith.mulf %reshape3A_72, %mul3A_80 : vector<27x32x256xf32>
    %reduce_sum3A_82 = arith.constant dense<0.000000e+00> : vector<27x256xf32>
    %reduce_sum3A_83 = vector.multi_reduction <add>, %mul3A_81, %reduce_sum3A_82 [1] : vector<27x32x256xf32> to vector<27x256xf32>
    %slice3A_84 = vector.extract_strided_slice %reshape3A_72 {offsets = [2, 0, 0], sizes = [1, 32, 256], strides = [1, 1, 1]} : vector<27x32x256xf32> to vector<1x32x256xf32>
    %squeeze3A_85 = vector.shape_cast %slice3A_84 : vector<1x32x256xf32> to vector<32x256xf32>
    %broadcast_in_dim3A_86 = vector.shape_cast %squeeze3A_85 : vector<32x256xf32> to vector<1x32x256xf32>
    %mul3A_87 = vector.broadcast %broadcast_in_dim3A_86 : vector<1x32x256xf32> to vector<27x32x256xf32>
    %mul3A_88 = arith.mulf %reshape3A_72, %mul3A_87 : vector<27x32x256xf32>
    %reduce_sum3A_89 = arith.constant dense<0.000000e+00> : vector<27x256xf32>
    %reduce_sum3A_90 = vector.multi_reduction <add>, %mul3A_88, %reduce_sum3A_89 [1] : vector<27x32x256xf32> to vector<27x256xf32>
    %slice3A_91 = vector.extract_strided_slice %reshape3A_72 {offsets = [3, 0, 0], sizes = [1, 32, 256], strides = [1, 1, 1]} : vector<27x32x256xf32> to vector<1x32x256xf32>
    %squeeze3A_92 = vector.shape_cast %slice3A_91 : vector<1x32x256xf32> to vector<32x256xf32>
    %broadcast_in_dim3A_93 = vector.shape_cast %squeeze3A_92 : vector<32x256xf32> to vector<1x32x256xf32>
    %mul3A_94 = vector.broadcast %broadcast_in_dim3A_93 : vector<1x32x256xf32> to vector<27x32x256xf32>
    %mul3A_95 = arith.mulf %reshape3A_72, %mul3A_94 : vector<27x32x256xf32>
    %reduce_sum3A_96 = arith.constant dense<0.000000e+00> : vector<27x256xf32>
    %reduce_sum3A_97 = vector.multi_reduction <add>, %mul3A_95, %reduce_sum3A_96 [1] : vector<27x32x256xf32> to vector<27x256xf32>
    %slice3A_98 = vector.extract_strided_slice %reshape3A_72 {offsets = [4, 0, 0], sizes = [1, 32, 256], strides = [1, 1, 1]} : vector<27x32x256xf32> to vector<1x32x256xf32>
    %squeeze3A_99 = vector.shape_cast %slice3A_98 : vector<1x32x256xf32> to vector<32x256xf32>
    %broadcast_in_dim3A_100 = vector.shape_cast %squeeze3A_99 : vector<32x256xf32> to vector<1x32x256xf32>
    %mul3A_101 = vector.broadcast %broadcast_in_dim3A_100 : vector<1x32x256xf32> to vector<27x32x256xf32>
    %mul3A_102 = arith.mulf %reshape3A_72, %mul3A_101 : vector<27x32x256xf32>
    %reduce_sum3A_103 = arith.constant dense<0.000000e+00> : vector<27x256xf32>
    %reduce_sum3A_104 = vector.multi_reduction <add>, %mul3A_102, %reduce_sum3A_103 [1] : vector<27x32x256xf32> to vector<27x256xf32>
    %slice3A_105 = vector.extract_strided_slice %reshape3A_72 {offsets = [5, 0, 0], sizes = [1, 32, 256], strides = [1, 1, 1]} : vector<27x32x256xf32> to vector<1x32x256xf32>
    %squeeze3A_106 = vector.shape_cast %slice3A_105 : vector<1x32x256xf32> to vector<32x256xf32>
    %broadcast_in_dim3A_107 = vector.shape_cast %squeeze3A_106 : vector<32x256xf32> to vector<1x32x256xf32>
    %mul3A_108 = vector.broadcast %broadcast_in_dim3A_107 : vector<1x32x256xf32> to vector<27x32x256xf32>
    %mul3A_109 = arith.mulf %reshape3A_72, %mul3A_108 : vector<27x32x256xf32>
    %reduce_sum3A_110 = arith.constant dense<0.000000e+00> : vector<27x256xf32>
    %reduce_sum3A_111 = vector.multi_reduction <add>, %mul3A_109, %reduce_sum3A_110 [1] : vector<27x32x256xf32> to vector<27x256xf32>
    %slice3A_112 = vector.extract_strided_slice %reshape3A_72 {offsets = [6, 0, 0], sizes = [1, 32, 256], strides = [1, 1, 1]} : vector<27x32x256xf32> to vector<1x32x256xf32>
    %squeeze3A_113 = vector.shape_cast %slice3A_112 : vector<1x32x256xf32> to vector<32x256xf32>
    %broadcast_in_dim3A_114 = vector.shape_cast %squeeze3A_113 : vector<32x256xf32> to vector<1x32x256xf32>
    %mul3A_115 = vector.broadcast %broadcast_in_dim3A_114 : vector<1x32x256xf32> to vector<27x32x256xf32>
    %mul3A_116 = arith.mulf %reshape3A_72, %mul3A_115 : vector<27x32x256xf32>
    %reduce_sum3A_117 = arith.constant dense<0.000000e+00> : vector<27x256xf32>
    %reduce_sum3A_118 = vector.multi_reduction <add>, %mul3A_116, %reduce_sum3A_117 [1] : vector<27x32x256xf32> to vector<27x256xf32>
    %slice3A_119 = vector.extract_strided_slice %reshape3A_72 {offsets = [7, 0, 0], sizes = [1, 32, 256], strides = [1, 1, 1]} : vector<27x32x256xf32> to vector<1x32x256xf32>
    %squeeze3A_120 = vector.shape_cast %slice3A_119 : vector<1x32x256xf32> to vector<32x256xf32>
    %broadcast_in_dim3A_121 = vector.shape_cast %squeeze3A_120 : vector<32x256xf32> to vector<1x32x256xf32>
    %mul3A_122 = vector.broadcast %broadcast_in_dim3A_121 : vector<1x32x256xf32> to vector<27x32x256xf32>
    %mul3A_123 = arith.mulf %reshape3A_72, %mul3A_122 : vector<27x32x256xf32>
    %reduce_sum3A_124 = arith.constant dense<0.000000e+00> : vector<27x256xf32>
    %reduce_sum3A_125 = vector.multi_reduction <add>, %mul3A_123, %reduce_sum3A_124 [1] : vector<27x32x256xf32> to vector<27x256xf32>
    %slice3A_126 = vector.extract_strided_slice %reshape3A_72 {offsets = [8, 0, 0], sizes = [1, 32, 256], strides = [1, 1, 1]} : vector<27x32x256xf32> to vector<1x32x256xf32>
    %squeeze3A_127 = vector.shape_cast %slice3A_126 : vector<1x32x256xf32> to vector<32x256xf32>
    %broadcast_in_dim3A_128 = vector.shape_cast %squeeze3A_127 : vector<32x256xf32> to vector<1x32x256xf32>
    %mul3A_129 = vector.broadcast %broadcast_in_dim3A_128 : vector<1x32x256xf32> to vector<27x32x256xf32>
    %mul3A_130 = arith.mulf %reshape3A_72, %mul3A_129 : vector<27x32x256xf32>
    %reduce_sum3A_131 = arith.constant dense<0.000000e+00> : vector<27x256xf32>
    %reduce_sum3A_132 = vector.multi_reduction <add>, %mul3A_130, %reduce_sum3A_131 [1] : vector<27x32x256xf32> to vector<27x256xf32>
    %slice3A_133 = vector.extract_strided_slice %reshape3A_72 {offsets = [9, 0, 0], sizes = [1, 32, 256], strides = [1, 1, 1]} : vector<27x32x256xf32> to vector<1x32x256xf32>
    %squeeze3A_134 = vector.shape_cast %slice3A_133 : vector<1x32x256xf32> to vector<32x256xf32>
    %broadcast_in_dim3A_135 = vector.shape_cast %squeeze3A_134 : vector<32x256xf32> to vector<1x32x256xf32>
    %mul3A_136 = vector.broadcast %broadcast_in_dim3A_135 : vector<1x32x256xf32> to vector<27x32x256xf32>
    %mul3A_137 = arith.mulf %reshape3A_72, %mul3A_136 : vector<27x32x256xf32>
    %reduce_sum3A_138 = arith.constant dense<0.000000e+00> : vector<27x256xf32>
    %reduce_sum3A_139 = vector.multi_reduction <add>, %mul3A_137, %reduce_sum3A_138 [1] : vector<27x32x256xf32> to vector<27x256xf32>
    %slice3A_140 = vector.extract_strided_slice %reshape3A_72 {offsets = [10, 0, 0], sizes = [1, 32, 256], strides = [1, 1, 1]} : vector<27x32x256xf32> to vector<1x32x256xf32>
    %squeeze3A_141 = vector.shape_cast %slice3A_140 : vector<1x32x256xf32> to vector<32x256xf32>
    %broadcast_in_dim3A_142 = vector.shape_cast %squeeze3A_141 : vector<32x256xf32> to vector<1x32x256xf32>
    %mul3A_143 = vector.broadcast %broadcast_in_dim3A_142 : vector<1x32x256xf32> to vector<27x32x256xf32>
    %mul3A_144 = arith.mulf %reshape3A_72, %mul3A_143 : vector<27x32x256xf32>
    %reduce_sum3A_145 = arith.constant dense<0.000000e+00> : vector<27x256xf32>
    %reduce_sum3A_146 = vector.multi_reduction <add>, %mul3A_144, %reduce_sum3A_145 [1] : vector<27x32x256xf32> to vector<27x256xf32>
    %slice3A_147 = vector.extract_strided_slice %reshape3A_72 {offsets = [11, 0, 0], sizes = [1, 32, 256], strides = [1, 1, 1]} : vector<27x32x256xf32> to vector<1x32x256xf32>
    %squeeze3A_148 = vector.shape_cast %slice3A_147 : vector<1x32x256xf32> to vector<32x256xf32>
    %broadcast_in_dim3A_149 = vector.shape_cast %squeeze3A_148 : vector<32x256xf32> to vector<1x32x256xf32>
    %mul3A_150 = vector.broadcast %broadcast_in_dim3A_149 : vector<1x32x256xf32> to vector<27x32x256xf32>
    %mul3A_151 = arith.mulf %reshape3A_72, %mul3A_150 : vector<27x32x256xf32>
    %reduce_sum3A_152 = arith.constant dense<0.000000e+00> : vector<27x256xf32>
    %reduce_sum3A_153 = vector.multi_reduction <add>, %mul3A_151, %reduce_sum3A_152 [1] : vector<27x32x256xf32> to vector<27x256xf32>
    %slice3A_154 = vector.extract_strided_slice %reshape3A_72 {offsets = [12, 0, 0], sizes = [1, 32, 256], strides = [1, 1, 1]} : vector<27x32x256xf32> to vector<1x32x256xf32>
    %squeeze3A_155 = vector.shape_cast %slice3A_154 : vector<1x32x256xf32> to vector<32x256xf32>
    %broadcast_in_dim3A_156 = vector.shape_cast %squeeze3A_155 : vector<32x256xf32> to vector<1x32x256xf32>
    %mul3A_157 = vector.broadcast %broadcast_in_dim3A_156 : vector<1x32x256xf32> to vector<27x32x256xf32>
    %mul3A_158 = arith.mulf %reshape3A_72, %mul3A_157 : vector<27x32x256xf32>
    %reduce_sum3A_159 = arith.constant dense<0.000000e+00> : vector<27x256xf32>
    %reduce_sum3A_160 = vector.multi_reduction <add>, %mul3A_158, %reduce_sum3A_159 [1] : vector<27x32x256xf32> to vector<27x256xf32>
    %slice3A_161 = vector.extract_strided_slice %reshape3A_72 {offsets = [13, 0, 0], sizes = [1, 32, 256], strides = [1, 1, 1]} : vector<27x32x256xf32> to vector<1x32x256xf32>
    %squeeze3A_162 = vector.shape_cast %slice3A_161 : vector<1x32x256xf32> to vector<32x256xf32>
    %broadcast_in_dim3A_163 = vector.shape_cast %squeeze3A_162 : vector<32x256xf32> to vector<1x32x256xf32>
    %mul3A_164 = vector.broadcast %broadcast_in_dim3A_163 : vector<1x32x256xf32> to vector<27x32x256xf32>
    %mul3A_165 = arith.mulf %reshape3A_72, %mul3A_164 : vector<27x32x256xf32>
    %reduce_sum3A_166 = arith.constant dense<0.000000e+00> : vector<27x256xf32>
    %reduce_sum3A_167 = vector.multi_reduction <add>, %mul3A_165, %reduce_sum3A_166 [1] : vector<27x32x256xf32> to vector<27x256xf32>
    %slice3A_168 = vector.extract_strided_slice %reshape3A_72 {offsets = [14, 0, 0], sizes = [1, 32, 256], strides = [1, 1, 1]} : vector<27x32x256xf32> to vector<1x32x256xf32>
    %squeeze3A_169 = vector.shape_cast %slice3A_168 : vector<1x32x256xf32> to vector<32x256xf32>
    %broadcast_in_dim3A_170 = vector.shape_cast %squeeze3A_169 : vector<32x256xf32> to vector<1x32x256xf32>
    %mul3A_171 = vector.broadcast %broadcast_in_dim3A_170 : vector<1x32x256xf32> to vector<27x32x256xf32>
    %mul3A_172 = arith.mulf %reshape3A_72, %mul3A_171 : vector<27x32x256xf32>
    %reduce_sum3A_173 = arith.constant dense<0.000000e+00> : vector<27x256xf32>
    %reduce_sum3A_174 = vector.multi_reduction <add>, %mul3A_172, %reduce_sum3A_173 [1] : vector<27x32x256xf32> to vector<27x256xf32>
    %slice3A_175 = vector.extract_strided_slice %reshape3A_72 {offsets = [15, 0, 0], sizes = [1, 32, 256], strides = [1, 1, 1]} : vector<27x32x256xf32> to vector<1x32x256xf32>
    %squeeze3A_176 = vector.shape_cast %slice3A_175 : vector<1x32x256xf32> to vector<32x256xf32>
    %broadcast_in_dim3A_177 = vector.shape_cast %squeeze3A_176 : vector<32x256xf32> to vector<1x32x256xf32>
    %mul3A_178 = vector.broadcast %broadcast_in_dim3A_177 : vector<1x32x256xf32> to vector<27x32x256xf32>
    %mul3A_179 = arith.mulf %reshape3A_72, %mul3A_178 : vector<27x32x256xf32>
    %reduce_sum3A_180 = arith.constant dense<0.000000e+00> : vector<27x256xf32>
    %reduce_sum3A_181 = vector.multi_reduction <add>, %mul3A_179, %reduce_sum3A_180 [1] : vector<27x32x256xf32> to vector<27x256xf32>
    %slice3A_182 = vector.extract_strided_slice %reshape3A_72 {offsets = [16, 0, 0], sizes = [1, 32, 256], strides = [1, 1, 1]} : vector<27x32x256xf32> to vector<1x32x256xf32>
    %squeeze3A_183 = vector.shape_cast %slice3A_182 : vector<1x32x256xf32> to vector<32x256xf32>
    %broadcast_in_dim3A_184 = vector.shape_cast %squeeze3A_183 : vector<32x256xf32> to vector<1x32x256xf32>
    %mul3A_185 = vector.broadcast %broadcast_in_dim3A_184 : vector<1x32x256xf32> to vector<27x32x256xf32>
    %mul3A_186 = arith.mulf %reshape3A_72, %mul3A_185 : vector<27x32x256xf32>
    %reduce_sum3A_187 = arith.constant dense<0.000000e+00> : vector<27x256xf32>
    %reduce_sum3A_188 = vector.multi_reduction <add>, %mul3A_186, %reduce_sum3A_187 [1] : vector<27x32x256xf32> to vector<27x256xf32>
    %slice3A_189 = vector.extract_strided_slice %reshape3A_72 {offsets = [17, 0, 0], sizes = [1, 32, 256], strides = [1, 1, 1]} : vector<27x32x256xf32> to vector<1x32x256xf32>
    %squeeze3A_190 = vector.shape_cast %slice3A_189 : vector<1x32x256xf32> to vector<32x256xf32>
    %broadcast_in_dim3A_191 = vector.shape_cast %squeeze3A_190 : vector<32x256xf32> to vector<1x32x256xf32>
    %mul3A_192 = vector.broadcast %broadcast_in_dim3A_191 : vector<1x32x256xf32> to vector<27x32x256xf32>
    %mul3A_193 = arith.mulf %reshape3A_72, %mul3A_192 : vector<27x32x256xf32>
    %reduce_sum3A_194 = arith.constant dense<0.000000e+00> : vector<27x256xf32>
    %reduce_sum3A_195 = vector.multi_reduction <add>, %mul3A_193, %reduce_sum3A_194 [1] : vector<27x32x256xf32> to vector<27x256xf32>
    %slice3A_196 = vector.extract_strided_slice %reshape3A_72 {offsets = [18, 0, 0], sizes = [1, 32, 256], strides = [1, 1, 1]} : vector<27x32x256xf32> to vector<1x32x256xf32>
    %squeeze3A_197 = vector.shape_cast %slice3A_196 : vector<1x32x256xf32> to vector<32x256xf32>
    %broadcast_in_dim3A_198 = vector.shape_cast %squeeze3A_197 : vector<32x256xf32> to vector<1x32x256xf32>
    %mul3A_199 = vector.broadcast %broadcast_in_dim3A_198 : vector<1x32x256xf32> to vector<27x32x256xf32>
    %mul3A_200 = arith.mulf %reshape3A_72, %mul3A_199 : vector<27x32x256xf32>
    %reduce_sum3A_201 = arith.constant dense<0.000000e+00> : vector<27x256xf32>
    %reduce_sum3A_202 = vector.multi_reduction <add>, %mul3A_200, %reduce_sum3A_201 [1] : vector<27x32x256xf32> to vector<27x256xf32>
    %slice3A_203 = vector.extract_strided_slice %reshape3A_72 {offsets = [19, 0, 0], sizes = [1, 32, 256], strides = [1, 1, 1]} : vector<27x32x256xf32> to vector<1x32x256xf32>
    %squeeze3A_204 = vector.shape_cast %slice3A_203 : vector<1x32x256xf32> to vector<32x256xf32>
    %broadcast_in_dim3A_205 = vector.shape_cast %squeeze3A_204 : vector<32x256xf32> to vector<1x32x256xf32>
    %mul3A_206 = vector.broadcast %broadcast_in_dim3A_205 : vector<1x32x256xf32> to vector<27x32x256xf32>
    %mul3A_207 = arith.mulf %reshape3A_72, %mul3A_206 : vector<27x32x256xf32>
    %reduce_sum3A_208 = arith.constant dense<0.000000e+00> : vector<27x256xf32>
    %reduce_sum3A_209 = vector.multi_reduction <add>, %mul3A_207, %reduce_sum3A_208 [1] : vector<27x32x256xf32> to vector<27x256xf32>
    %slice3A_210 = vector.extract_strided_slice %reshape3A_72 {offsets = [20, 0, 0], sizes = [1, 32, 256], strides = [1, 1, 1]} : vector<27x32x256xf32> to vector<1x32x256xf32>
    %squeeze3A_211 = vector.shape_cast %slice3A_210 : vector<1x32x256xf32> to vector<32x256xf32>
    %broadcast_in_dim3A_212 = vector.shape_cast %squeeze3A_211 : vector<32x256xf32> to vector<1x32x256xf32>
    %mul3A_213 = vector.broadcast %broadcast_in_dim3A_212 : vector<1x32x256xf32> to vector<27x32x256xf32>
    %mul3A_214 = arith.mulf %reshape3A_72, %mul3A_213 : vector<27x32x256xf32>
    %reduce_sum3A_215 = arith.constant dense<0.000000e+00> : vector<27x256xf32>
    %reduce_sum3A_216 = vector.multi_reduction <add>, %mul3A_214, %reduce_sum3A_215 [1] : vector<27x32x256xf32> to vector<27x256xf32>
    %slice3A_217 = vector.extract_strided_slice %reshape3A_72 {offsets = [21, 0, 0], sizes = [1, 32, 256], strides = [1, 1, 1]} : vector<27x32x256xf32> to vector<1x32x256xf32>
    %squeeze3A_218 = vector.shape_cast %slice3A_217 : vector<1x32x256xf32> to vector<32x256xf32>
    %broadcast_in_dim3A_219 = vector.shape_cast %squeeze3A_218 : vector<32x256xf32> to vector<1x32x256xf32>
    %mul3A_220 = vector.broadcast %broadcast_in_dim3A_219 : vector<1x32x256xf32> to vector<27x32x256xf32>
    %mul3A_221 = arith.mulf %reshape3A_72, %mul3A_220 : vector<27x32x256xf32>
    %reduce_sum3A_222 = arith.constant dense<0.000000e+00> : vector<27x256xf32>
    %reduce_sum3A_223 = vector.multi_reduction <add>, %mul3A_221, %reduce_sum3A_222 [1] : vector<27x32x256xf32> to vector<27x256xf32>
    %slice3A_224 = vector.extract_strided_slice %reshape3A_72 {offsets = [22, 0, 0], sizes = [1, 32, 256], strides = [1, 1, 1]} : vector<27x32x256xf32> to vector<1x32x256xf32>
    %squeeze3A_225 = vector.shape_cast %slice3A_224 : vector<1x32x256xf32> to vector<32x256xf32>
    %broadcast_in_dim3A_226 = vector.shape_cast %squeeze3A_225 : vector<32x256xf32> to vector<1x32x256xf32>
    %mul3A_227 = vector.broadcast %broadcast_in_dim3A_226 : vector<1x32x256xf32> to vector<27x32x256xf32>
    %mul3A_228 = arith.mulf %reshape3A_72, %mul3A_227 : vector<27x32x256xf32>
    %reduce_sum3A_229 = arith.constant dense<0.000000e+00> : vector<27x256xf32>
    %reduce_sum3A_230 = vector.multi_reduction <add>, %mul3A_228, %reduce_sum3A_229 [1] : vector<27x32x256xf32> to vector<27x256xf32>
    %slice3A_231 = vector.extract_strided_slice %reshape3A_72 {offsets = [23, 0, 0], sizes = [1, 32, 256], strides = [1, 1, 1]} : vector<27x32x256xf32> to vector<1x32x256xf32>
    %squeeze3A_232 = vector.shape_cast %slice3A_231 : vector<1x32x256xf32> to vector<32x256xf32>
    %broadcast_in_dim3A_233 = vector.shape_cast %squeeze3A_232 : vector<32x256xf32> to vector<1x32x256xf32>
    %mul3A_234 = vector.broadcast %broadcast_in_dim3A_233 : vector<1x32x256xf32> to vector<27x32x256xf32>
    %mul3A_235 = arith.mulf %reshape3A_72, %mul3A_234 : vector<27x32x256xf32>
    %reduce_sum3A_236 = arith.constant dense<0.000000e+00> : vector<27x256xf32>
    %reduce_sum3A_237 = vector.multi_reduction <add>, %mul3A_235, %reduce_sum3A_236 [1] : vector<27x32x256xf32> to vector<27x256xf32>
    %slice3A_238 = vector.extract_strided_slice %reshape3A_72 {offsets = [24, 0, 0], sizes = [1, 32, 256], strides = [1, 1, 1]} : vector<27x32x256xf32> to vector<1x32x256xf32>
    %squeeze3A_239 = vector.shape_cast %slice3A_238 : vector<1x32x256xf32> to vector<32x256xf32>
    %broadcast_in_dim3A_240 = vector.shape_cast %squeeze3A_239 : vector<32x256xf32> to vector<1x32x256xf32>
    %mul3A_241 = vector.broadcast %broadcast_in_dim3A_240 : vector<1x32x256xf32> to vector<27x32x256xf32>
    %mul3A_242 = arith.mulf %reshape3A_72, %mul3A_241 : vector<27x32x256xf32>
    %reduce_sum3A_243 = arith.constant dense<0.000000e+00> : vector<27x256xf32>
    %reduce_sum3A_244 = vector.multi_reduction <add>, %mul3A_242, %reduce_sum3A_243 [1] : vector<27x32x256xf32> to vector<27x256xf32>
    %slice3A_245 = vector.extract_strided_slice %reshape3A_72 {offsets = [25, 0, 0], sizes = [1, 32, 256], strides = [1, 1, 1]} : vector<27x32x256xf32> to vector<1x32x256xf32>
    %squeeze3A_246 = vector.shape_cast %slice3A_245 : vector<1x32x256xf32> to vector<32x256xf32>
    %broadcast_in_dim3A_247 = vector.shape_cast %squeeze3A_246 : vector<32x256xf32> to vector<1x32x256xf32>
    %mul3A_248 = vector.broadcast %broadcast_in_dim3A_247 : vector<1x32x256xf32> to vector<27x32x256xf32>
    %mul3A_249 = arith.mulf %reshape3A_72, %mul3A_248 : vector<27x32x256xf32>
    %reduce_sum3A_250 = arith.constant dense<0.000000e+00> : vector<27x256xf32>
    %reduce_sum3A_251 = vector.multi_reduction <add>, %mul3A_249, %reduce_sum3A_250 [1] : vector<27x32x256xf32> to vector<27x256xf32>
    %slice3A_252 = vector.extract_strided_slice %reshape3A_72 {offsets = [26, 0, 0], sizes = [1, 32, 256], strides = [1, 1, 1]} : vector<27x32x256xf32> to vector<1x32x256xf32>
    %squeeze3A_253 = vector.shape_cast %slice3A_252 : vector<1x32x256xf32> to vector<32x256xf32>
    %broadcast_in_dim3A_254 = vector.shape_cast %squeeze3A_253 : vector<32x256xf32> to vector<1x32x256xf32>
    %mul3A_255 = vector.broadcast %broadcast_in_dim3A_254 : vector<1x32x256xf32> to vector<27x32x256xf32>
    %mul3A_256 = arith.mulf %reshape3A_72, %mul3A_255 : vector<27x32x256xf32>
    %reduce_sum3A_257 = arith.constant dense<0.000000e+00> : vector<27x256xf32>
    %reduce_sum3A_258 = vector.multi_reduction <add>, %mul3A_256, %reduce_sum3A_257 [1] : vector<27x32x256xf32> to vector<27x256xf32>
    %concatenate3A_259 = tpu.concatenate %reduce_sum3A_76, %reduce_sum3A_83, %reduce_sum3A_90, %reduce_sum3A_97, %reduce_sum3A_104, %reduce_sum3A_111, %reduce_sum3A_118, %reduce_sum3A_125, %reduce_sum3A_132, %reduce_sum3A_139, %reduce_sum3A_146, %reduce_sum3A_153, %reduce_sum3A_160, %reduce_sum3A_167, %reduce_sum3A_174, %reduce_sum3A_181, %reduce_sum3A_188, %reduce_sum3A_195, %reduce_sum3A_202, %reduce_sum3A_209, %reduce_sum3A_216, %reduce_sum3A_223, %reduce_sum3A_230, %reduce_sum3A_237, %reduce_sum3A_244, %reduce_sum3A_251, %reduce_sum3A_258 in 0 : vector<27x256xf32>, vector<27x256xf32>, vector<27x256xf32>, vector<27x256xf32>, vector<27x256xf32>, vector<27x256xf32>, vector<27x256xf32>, vector<27x256xf32>, vector<27x256xf32>, vector<27x256xf32>, vector<27x256xf32>, vector<27x256xf32>, vector<27x256xf32>, vector<27x256xf32>, vector<27x256xf32>, vector<27x256xf32>, vector<27x256xf32>, vector<27x256xf32>, vector<27x256xf32>, vector<27x256xf32>, vector<27x256xf32>, vector<27x256xf32>, vector<27x256xf32>, vector<27x256xf32>, vector<27x256xf32>, vector<27x256xf32>, vector<27x256xf32> -> vector<729x256xf32>
    %transpose3A_260 = tpu.transpose %concatenate3A_259, [1, 0] : vector<729x256xf32> -> vector<256x729xf32>
    %concatenate3A_261 = tpu.concatenate %reshape3A_71, %transpose3A_260 in 1 : vector<256x864xf32>, vector<256x729xf32> -> vector<256x1593xf32>
    %convert_element_type3A = arith.truncf %concatenate3A_261 : vector<256x1593xf32> to vector<256x1593xbf16>
    %get3A_262 = arith.constant 0 : index
    %get3A_263 = arith.constant 0 : index
    %get3A_264 = vector.load %arg8[%get3A_262, %get3A_263] : memref<1593x512xf32, #tpu.memory_space<vmem>>, vector<1593x512xf32>
    %convert_element_type3A_265 = arith.truncf %get3A_264 : vector<1593x512xf32> to vector<1593x512xbf16>
    %dot_general3A_266 = arith.constant dense<0.000000e+00> : vector<256x512xf32>
    %dot_general3A_267 = tpu.matmul %convert_element_type3A, %convert_element_type3A_265, %dot_general3A_266 {dimension_numbers = #tpu.dot_dimension_numbers<[1], [0], [0], [1], [0, 0, 1, 1], [], []>, transpose_lhs_hint = false} : vector<256x1593xbf16>, vector<1593x512xbf16>, vector<256x512xf32> -> vector<256x512xf32>
    %get3A_268 = arith.constant 0 : index
    %get3A_269 = arith.constant 0 : index
    %get3A_270 = vector.load %arg9[%get3A_268, %get3A_269] : memref<1x512xf32, #tpu.memory_space<vmem>>, vector<1x512xf32>
    %add3A_271 = vector.broadcast %get3A_270 : vector<1x512xf32> to vector<256x512xf32>
    %add3A_272 = arith.addf %dot_general3A_267, %add3A_271 : vector<256x512xf32>
    %max3A_273 = arith.constant 0.000000e+00 : f32
    %max3A_274 = vector.broadcast %max3A_273 : f32 to vector<256x512xf32>
    %max3A_275 = arith.maximumf %add3A_272, %max3A_274 : vector<256x512xf32>
    %convert_element_type3A_276 = arith.truncf %max3A_275 : vector<256x512xf32> to vector<256x512xbf16>
    %get3A_277 = arith.constant 0 : index
    %get3A_278 = arith.constant 0 : index
    %get3A_279 = vector.load %arg10[%get3A_277, %get3A_278] : memref<512x256xf32, #tpu.memory_space<vmem>>, vector<512x256xf32>
    %convert_element_type3A_280 = arith.truncf %get3A_279 : vector<512x256xf32> to vector<512x256xbf16>
    %dot_general3A_281 = arith.constant dense<0.000000e+00> : vector<256x256xf32>
    %dot_general3A_282 = tpu.matmul %convert_element_type3A_276, %convert_element_type3A_280, %dot_general3A_281 {dimension_numbers = #tpu.dot_dimension_numbers<[1], [0], [0], [1], [0, 0, 1, 1], [], []>, transpose_lhs_hint = false} : vector<256x512xbf16>, vector<512x256xbf16>, vector<256x256xf32> -> vector<256x256xf32>
    %get3A_283 = arith.constant 0 : index
    %get3A_284 = arith.constant 0 : index
    %get3A_285 = vector.load %arg11[%get3A_283, %get3A_284] : memref<1x256xf32, #tpu.memory_space<vmem>>, vector<1x256xf32>
    %add3A_286 = vector.broadcast %get3A_285 : vector<1x256xf32> to vector<256x256xf32>
    %add3A_287 = arith.addf %dot_general3A_282, %add3A_286 : vector<256x256xf32>
    %max3A_288 = arith.constant 0.000000e+00 : f32
    %max3A_289 = vector.broadcast %max3A_288 : f32 to vector<256x256xf32>
    %max3A_290 = arith.maximumf %add3A_287, %max3A_289 : vector<256x256xf32>
    %convert_element_type3A_291 = arith.truncf %max3A_290 : vector<256x256xf32> to vector<256x256xbf16>
    %get3A_292 = arith.constant 0 : index
    %get3A_293 = arith.constant 0 : index
    %get3A_294 = vector.load %arg12[%get3A_292, %get3A_293] : memref<256x128xf32, #tpu.memory_space<vmem>>, vector<256x128xf32>
    %convert_element_type3A_295 = arith.truncf %get3A_294 : vector<256x128xf32> to vector<256x128xbf16>
    %dot_general3A_296 = arith.constant dense<0.000000e+00> : vector<256x128xf32>
    %dot_general3A_297 = tpu.matmul %convert_element_type3A_291, %convert_element_type3A_295, %dot_general3A_296 {dimension_numbers = #tpu.dot_dimension_numbers<[1], [0], [0], [1], [0, 0, 1, 1], [], []>, transpose_lhs_hint = false} : vector<256x256xbf16>, vector<256x128xbf16>, vector<256x128xf32> -> vector<256x128xf32>
    %get3A_298 = arith.constant 0 : index
    %get3A_299 = arith.constant 0 : index
    %get3A_300 = vector.load %arg13[%get3A_298, %get3A_299] : memref<1x128xf32, #tpu.memory_space<vmem>>, vector<1x128xf32>
    %add3A_301 = vector.broadcast %get3A_300 : vector<1x128xf32> to vector<256x128xf32>
    %add3A_302 = arith.addf %dot_general3A_297, %add3A_301 : vector<256x128xf32>
    %max3A_303 = arith.constant 0.000000e+00 : f32
    %max3A_304 = vector.broadcast %max3A_303 : f32 to vector<256x128xf32>
    %max3A_305 = arith.maximumf %add3A_302, %max3A_304 : vector<256x128xf32>
    %convert_element_type3A_306 = arith.truncf %max3A_305 : vector<256x128xf32> to vector<256x128xbf16>
    %get3A_307 = arith.constant 0 : index
    %get3A_308 = arith.constant 0 : index
    %get3A_309 = vector.load %arg14[%get3A_307, %get3A_308] : memref<128x1xf32, #tpu.memory_space<vmem>>, vector<128x1xf32>
    %convert_element_type3A_310 = arith.truncf %get3A_309 : vector<128x1xf32> to vector<128x1xbf16>
    %dot_general3A_311 = arith.constant dense<0.000000e+00> : vector<256x1xf32>
    %dot_general3A_312 = tpu.matmul %convert_element_type3A_306, %convert_element_type3A_310, %dot_general3A_311 {dimension_numbers = #tpu.dot_dimension_numbers<[1], [0], [0], [1], [0, 0, 1, 1], [], []>, transpose_lhs_hint = false} : vector<256x128xbf16>, vector<128x1xbf16>, vector<256x1xf32> -> vector<256x1xf32>
    %get3A_313 = arith.constant 0 : index
    %get3A_314 = arith.constant 0 : index
    %get3A_315 = vector.load %arg15[%get3A_313, %get3A_314] : memref<1x1xf32, #tpu.memory_space<vmem>>, vector<1x1xf32>
    %add3A_316 = vector.broadcast %get3A_315 : vector<1x1xf32> to vector<256x1xf32>
    %add3A_317 = arith.addf %dot_general3A_312, %add3A_316 : vector<256x1xf32>
    %swap3A = arith.constant 0 : index
    %swap3A_318 = arith.constant 0 : index
    %swap3A_319 = vector.load %arg16[%swap3A, %swap3A_318] : memref<256x1xf32, #tpu.memory_space<vmem>>, vector<256x1xf32>
    tpu.vector_store %arg16[%swap3A, %swap3A_318], %add3A_317 {strides = array<i32>} : memref<256x1xf32, #tpu.memory_space<vmem>>, vector<256x1xf32>,
    return
  }
  func.func @transform_0(%arg0: i32) -> (i32, i32) {
    %c0_i32 = arith.constant 0 : i32
    %c0_i32_0 = arith.constant 0 : i32
    return %arg0, %c0_i32 : i32, i32
  }
  func.func @transform_1(%arg0: i32) -> (i32, i32) {
    %c0_i32 = arith.constant 0 : i32
    %c0_i32_0 = arith.constant 0 : i32
    return %arg0, %c0_i32 : i32, i32
  }
  func.func @transform_2(%arg0: i32) -> (i32, i32) {
    %c0_i32 = arith.constant 0 : i32
    %c0_i32_0 = arith.constant 0 : i32
    return %arg0, %c0_i32 : i32, i32
  }
  func.func @transform_3(%arg0: i32) -> (i32, i32) {
    %c0_i32 = arith.constant 0 : i32
    %c0_i32_0 = arith.constant 0 : i32
    %c0_i32_1 = arith.constant 0 : i32
    return %c0_i32, %c0_i32_0 : i32, i32
  }
  func.func @transform_4(%arg0: i32) -> (i32, i32) {
    %c0_i32 = arith.constant 0 : i32
    %c0_i32_0 = arith.constant 0 : i32
    %c0_i32_1 = arith.constant 0 : i32
    return %c0_i32, %c0_i32_0 : i32, i32
  }
  func.func @transform_5(%arg0: i32) -> (i32, i32) {
    %c0_i32 = arith.constant 0 : i32
    %c0_i32_0 = arith.constant 0 : i32
    %c0_i32_1 = arith.constant 0 : i32
    return %c0_i32, %c0_i32_0 : i32, i32
  }
  func.func @transform_6(%arg0: i32) -> (i32, i32) {
    %c0_i32 = arith.constant 0 : i32
    %c0_i32_0 = arith.constant 0 : i32
    %c0_i32_1 = arith.constant 0 : i32
    return %c0_i32, %c0_i32_0 : i32, i32
  }
  func.func @transform_7(%arg0: i32) -> (i32, i32) {
    %c0_i32 = arith.constant 0 : i32
    %c0_i32_0 = arith.constant 0 : i32
    %c0_i32_1 = arith.constant 0 : i32
    return %c0_i32, %c0_i32_0 : i32, i32
  }
  func.func @transform_8(%arg0: i32) -> (i32, i32) {
    %c0_i32 = arith.constant 0 : i32
    %c0_i32_0 = arith.constant 0 : i32
    %c0_i32_1 = arith.constant 0 : i32
    return %c0_i32, %c0_i32_0 : i32, i32
  }
  func.func @transform_9(%arg0: i32) -> (i32, i32) {
    %c0_i32 = arith.constant 0 : i32
    %c0_i32_0 = arith.constant 0 : i32
    %c0_i32_1 = arith.constant 0 : i32
    return %c0_i32, %c0_i32_0 : i32, i32
  }
  func.func @transform_10(%arg0: i32) -> (i32, i32) {
    %c0_i32 = arith.constant 0 : i32
    %c0_i32_0 = arith.constant 0 : i32
    %c0_i32_1 = arith.constant 0 : i32
    return %c0_i32, %c0_i32_0 : i32, i32
  }
  func.func @transform_11(%arg0: i32) -> (i32, i32) {
    %c0_i32 = arith.constant 0 : i32
    %c0_i32_0 = arith.constant 0 : i32
    %c0_i32_1 = arith.constant 0 : i32
    return %c0_i32, %c0_i32_0 : i32, i32
  }
  func.func @transform_12(%arg0: i32) -> (i32, i32) {
    %c0_i32 = arith.constant 0 : i32
    %c0_i32_0 = arith.constant 0 : i32
    %c0_i32_1 = arith.constant 0 : i32
    return %c0_i32, %c0_i32_0 : i32, i32
  }
  func.func @transform_13(%arg0: i32) -> (i32, i32) {
    %c0_i32 = arith.constant 0 : i32
    %c0_i32_0 = arith.constant 0 : i32
    %c0_i32_1 = arith.constant 0 : i32
    return %c0_i32, %c0_i32_0 : i32, i32
  }
  func.func @transform_14(%arg0: i32) -> (i32, i32) {
    %c0_i32 = arith.constant 0 : i32
    %c0_i32_0 = arith.constant 0 : i32
    %c0_i32_1 = arith.constant 0 : i32
    return %c0_i32, %c0_i32_0 : i32, i32
  }
  func.func @transform_15(%arg0: i32) -> (i32, i32) {
    %c0_i32 = arith.constant 0 : i32
    %c0_i32_0 = arith.constant 0 : i32
    return %arg0, %c0_i32 : i32, i32
  }
}

</mosaic_0001>

<sc_bundles>
// kernel: kernel.5.cloned.1.call-start
scs
__scs_entry_jumppad:
0x0: {  	(pc) =	sbr.rel $0x88, $3  }
0x1: {  	(tag) =	ssettag $0x0;
	lr =	simm.s32 $0x1  }
0x2: {  	[smem:$0x3F92] =	sst lr;
	_ =	strace $0xD0000000  }
0x3: {  	_ = 	snop  }
0x4: {  	_ = 	snop  }
0x5: {  	_ = 	snop  }
0x6: {  	_ = 	snop  }
0x7: {  	_ = 	snop  }
__scs_overlays_trampoline_lowered:
0x8: {  	[smem:$0x3FA1] =	sst s0  }
0x9: {  	[smem:$0x3FA2] =	sst s1  }
0xa: {  	[smem:$0x3FA3] =	sst s2  }
0xb: {  	[smem:$0x3FA4] =	sst s3  }
0xc: {  	[smem:$0x3FA5] =	sst s4  }
0xd: {  	[smem:$0x3FA6] =	sst s5  }
0xe: {  	[smem:$0x3FA7] =	sst s6  }
0xf: {  	[smem:$0x3FA8] =	sst s7  }
0x10: {  	[smem:$0x3FA9] =	sst s8  }
0x11: {  	[smem:$0x3FAA] =	sst s9;
	s0 =	simm.s32 @!p0 $0x0  }
0x12: {  	s1 =	sld [smem:$0x3F90];
	s0 =	simm.s32 @p0 $0x1  }
0x13: {  	[smem:$0x3FAB] =	sst s0;
	s0 =	simm.s32 @!p1 $0x0  }
0x14: {  	s2 =	sld [smem:$0x3F8F];
	s0 =	simm.s32 @p1 $0x1  }
0x15: {  	[smem:$0x3FAC] =	sst s0;
	s0 =	simm.s32 @!p2 $0x0  }
0x16: {  	s3 =	sld [smem:$0x3FDB];
	s0 =	simm.s32 @p2 $0x1  }
0x17: {  	s4 =	simm.s32 $0x1BF5;
	[smem:$0x3FAE] =	sst s0  }
0x18: {  	s0 =	sld [smem:$0x3F91];
	_ =	swait.ge [sflag:s4], $0x0  }
0x19: {  	s7 =	sld [smem:$0x3F92]  }
0x1a: {  	s8 =	sadd.s32 $0xFFFFE003, lr  }
0x1b: {  	s9 =	sadd.s32 $0xFFFFFEF7, lr;
	s5 =	simm.s32 $0xFFFFFFFF;
	p2 =	slt.u32 s8, $0xFFFFF086  }
0x1c: {  	p1 =	slt.u32 s9, $0xF7A;
	s5 =	simm.s32 @!p2 $0x0  }
0x1d: {  	s5 =	simm.s32 @p1 $0x1;
	p0 =	seq.s32 s7, s2  }
0x1e: {  	s7 =	smul.u32 @!p0 $0xF7A, s2;
	p2 =	seq.s32 @!p0 s5, $0x0  }
0x1f: {  	s9 =	smul.u32 $0xF7A, s1;
	s8 =	simm.s32 @!p0 $0x1BF5;
	p2 =	por !p2, p0  }
0x20: {  	[sflag:s8] =	ssyncset.s32 @!p0 $0xFFFFF086;
	s6 =	sadd.s32 @!p0 s3, s7;
	s7 =	simm.s32 @!p0 $0x108  }
0x21: {  	s3 =	sadd.s32 s3, s9;
	s6 =	sadd.s32 @!p0 $0x88, s6;
	s7 =	simm.s32 @p2 $0x1082  }
0x22: {  	[simem:s7], [sflag:s8] =	dma.local @!p0 [hbm:s6], $0xF7A  }
0x23: {  	s9 =	sor.u32 $0xD0000000, s2;
	s6 =	simm.s32 $0x108;
	_ =	swait.ge @!p0 [sflag:s8], $0x0  }
0x24: {  	s3 =	sadd.s32 $0x88, s3;
	s6 =	simm.s32 @!p1 $0x1082;
	[sflag:s4] =	ssyncset.s32 $0xFFFFF086  }
0x25: {  	[simem:s6], [sflag:s4] =	dma.local [hbm:s3], $0xF7A  }
0x26: {  	[smem:$0x3F92] =	sst s1;
	(tag) =	ssettag s2;
	_ =	strace s9  }
0x27: {  	s1 =	sld [smem:$0x3FA2]  }
0x28: {  	s2 =	sld [smem:$0x3FA3]  }
0x29: {  	s4 =	sld [smem:$0x3FA5]  }
0x2a: {  	p0 =	seq.s32 s5, $0x0;
	s5 =	sld [smem:$0x3FA6]  }
0x2b: {  	s6 =	sld [smem:$0x3FA7]  }
0x2c: {  	s7 =	sld [smem:$0x3FA8]  }
0x2d: {  	s3 =	simm.s32 $0x108;
	s8 =	sld [smem:$0x3FA9]  }
0x2e: {  	s3 =	simm.s32 @!p0 $0x1082;
	s9 =	sld [smem:$0x3FAA]  }
0x2f: {  	lr =	sadd.s32 s0, s3;
	s0 =	sld [smem:$0x3FA1]  }
0x30: {  	s3 =	sld [smem:$0x3FA4]  }
0x31: {  	[smem:$0x3FAD] =	sst s10  }
0x32: {  	s10 =	sld [smem:$0x3FAB];
	_ =	sdelay $0x3  }
0x33: {  	p0 =	seq.s32 s10, $0x1;
	s10 =	sld [smem:$0x3FAD];
	_ =	sdelay $0x3  }
0x34: {  	[smem:$0x3FAD] =	sst s10  }
0x35: {  	s10 =	sld [smem:$0x3FAC];
	_ =	sdelay $0x3  }
0x36: {  	p1 =	seq.s32 s10, $0x1;
	s10 =	sld [smem:$0x3FAD];
	_ =	sdelay $0x3  }
0x37: {  	[smem:$0x3FAD] =	sst s10  }
0x38: {  	s10 =	sld [smem:$0x3FAE]  }
0x39: {  	_ = 	snop;
	(pc) =	sbr.ind lr, $3  }
0x3a: {  	_ = 	snop  }
0x3b: {  	_ = 	snop  }
0x3c: {  	p2 =	seq.s32 s10, $0x1;
	s10 =	sld [smem:$0x3FAD]  }
0x3d: {  	_ =	shalt  }
0x3e: {  	_ =	shalt  }
0x3f: {  	_ =	shalt  }
0x40: {  	_ =	shalt  }
0x41: {  	_ =	shalt  }
0x42: {  	_ =	shalt  }
0x43: {  	_ =	shalt  }
0x44: {  	_ =	shalt  }
0x45: {  	_ =	shalt  }
0x46: {  	_ =	shalt  }
0x47: {  	_ =	shalt  }
0x48: {  	_ =	shalt  }
0x49: {  	_ =	shalt  }
0x4a: {  	_ =	shalt  }
0x4b: {  	_ =	shalt  }
0x4c: {  	_ =	shalt  }
0x4d: {  	_ =	shalt  }
0x4e: {  	_ =	shalt  }
0x4f: {  	_ =	shalt  }
0x50: {  	_ =	shalt  }
0x51: {  	_ =	shalt  }
0x52: {  	_ =	shalt  }
0x53: {  	_ =	shalt  }
0x54: {  	_ =	shalt  }
0x55: {  	_ =	shalt  }
0x56: {  	_ =	shalt  }
0x57: {  	_ =	shalt  }
0x58: {  	_ =	shalt  }
0x59: {  	_ =	shalt  }
0x5a: {  	_ =	shalt  }
0x5b: {  	_ =	shalt  }
0x5c: {  	_ =	shalt  }
0x5d: {  	_ =	shalt  }
0x5e: {  	_ =	shalt  }
0x5f: {  	_ =	shalt  }
0x60: {  	_ =	shalt  }
0x61: {  	_ =	shalt  }
0x62: {  	_ =	shalt  }
0x63: {  	_ =	shalt  }
0x64: {  	_ =	shalt  }
0x65: {  	_ =	shalt  }
0x66: {  	_ =	shalt  }
0x67: {  	_ =	shalt  }
0x68: {  	_ =	shalt  }
0x69: {  	_ =	shalt  }
0x6a: {  	_ =	shalt  }
0x6b: {  	_ =	shalt  }
0x6c: {  	_ =	shalt  }
0x6d: {  	_ =	shalt  }
0x6e: {  	_ =	shalt  }
0x6f: {  	_ =	shalt  }
0x70: {  	_ =	shalt  }
0x71: {  	_ =	shalt  }
0x72: {  	_ =	shalt  }
0x73: {  	_ =	shalt  }
0x74: {  	_ =	shalt  }
0x75: {  	_ =	shalt  }
0x76: {  	_ =	shalt  }
0x77: {  	_ =	shalt  }
0x78: {  	_ =	shalt  }
0x79: {  	_ =	shalt  }
0x7a: {  	_ =	shalt  }
0x7b: {  	_ =	shalt  }
0x7c: {  	_ =	shalt  }
0x7d: {  	_ =	shalt  }
0x7e: {  	_ =	shalt  }
0x7f: {  	_ =	shalt  }
0x80: {  	_ =	shalt  }
0x81: {  	_ =	shalt  }
0x82: {  	_ =	shalt  }
0x83: {  	_ =	shalt  }
0x84: {  	_ =	shalt  }
0x85: {  	_ =	shalt  }
0x86: {  	_ =	shalt  }
0x87: {  	_ =	shalt  }
.Lfunc_end0:
.L_simem_size_0:
called_computation_lowered:
.L_overlay_start_0:
0x88: {  	s2 =	sld [smem:$0x3FD9]  }
0x89: {  	s3 =	sld [smem:$0x3FFE];
	_ =	sdelay $0x1  }
0x8a: {  	s1 =	srdreg.scid  }
0x8b: {  	s0 =	sand.u32 $0x1, s1  }
0x8c: {  	s16 =	sshll.u32 s0, $0xA;
	s2 =	sadd.s32 s3, s2  }
0x8d: {  	s2 =	sadd.s32 s2, s16  }
0x8e: {  	[smem:$0x3FB9] =	sst s2  }
0x8f: {  	_ = 	snop  }
0x90: {  	(tm) =	ssettm $0x1  }
0x91: {  	s17 =	sld [smem:$0x3FFB];
	_ =	sdelay $0x3  }
0x92: {  	_ =	strace s17  }
0x93: {  	s2 =	sld [smem:$0x3FFC];
	_ =	sdelay $0x3  }
0x94: {  	_ =	strace s2  }
0x95: {  	s2 =	sld [smem:$0x3FFD];
	_ =	sdelay $0x3  }
0x96: {  	_ =	strace s2  }
0x97: {  	_ =	strace $0x8FFFFFFF  }
0x98: {  	s18 =	sld [smem:$0x3FDB];
	_ =	sdelay $0x1  }
0x99: {  	s19 =	simm.s32 $_scs_section_size  }
0x9a: {  	s4 =	simm.s32 $_size__tile_overlayer_lowered;
	s5 =	simm.s32 $_tile_overlayer_lowered  }
0x9b: {  	s22 =	simm.s32 $0x1BFF;
	s21 =	sshll.u32 s5, $0x1;
	s2 =	sadd.s32 s19, s18  }
0x9c: {  	s6 =	simm.s32 $0x0;
	s20 =	sshll.u32 s4, $0x1;
	s4 =	sadd.s32 s21, s2  }
0x9d: {  	[timem:s6], [sflag:s22] =	dma.local [hbm:s4], s20  }
0x9e: {  	_ =	swait.ge [sflag:s22], s20  }
0x9f: {  	s3 =	ssub.s32 $0x0, s20;
	[sflag:s22] =	ssyncset.done $0x0  }
0xa0: {  	[sflag:s22] =	ssyncadd.s32 s3;
	_ =	sdelay $0x1  }
0xa1: {  	s23 =	simm.s32 $0x1B8B  }
0xa2: {  	_ =	swait.ge [sflag:s23], $0x1  }
0xa3: {  	[sflag:s23] =	ssyncset.done $0x0  }
0xa4: {  	s25 =	simm.s32 $0x1B8E;
	s24 =	sld [smem:$0x3FFE];
	[sflag:s23] =	ssyncadd.s32 $0xFFFFFFFF  }
0xa5: {  	s26 =	simm.s32 $execute0_lowered;
	[smem:$0x3FD2] =	sst s25  }
0xa6: {  	s4 =	sshll.u32 s26, $0x1;
	_ =	strace $0x80000046;
	[dreg:$0x1] =	wrdreg $0xFFFFFFFF  }
0xa7: {  	s28 =	simm.s32 $_size_execute0_lowered;
	s2 =	sadd.s32 s2, s4;
	[dreg:$0x0] =	wrdreg $0x0  }
0xa8: {  	s4 =	sshll.u32 s28, $0x1;
	[dreg:$0x2] =	wrdreg s2  }
0xa9: {  	[dreg:$0x3] =	wrdreg s4  }
0xaa: {  	[dreg:$0x4] =	wrdreg $0xC0  }
0xab: {  	_ =	task [dreg:s6], $0x5FFFF  }
0xac: {  	[dreg:$0x1] =	wrdreg $0xFFFFFFFF  }
0xad: {  	[dreg:$0x0] =	wrdreg $0x60  }
0xae: {  	[dreg:$0x2] =	wrdreg s24  }
0xaf: {  	[dreg:$0x3] =	wrdreg $0x9  }
0xb0: {  	_ =	task.clear_ibuf [dreg:s6], $0x4FFFF;
	_ =	strace $0x90000046  }
0xb1: {  	s29 =	simm.s32 $0x9;
	_ =	strace $0x80000048  }
0xb2: {  	_ =	swait.ge [sflag:s29], $0x1  }
0xb3: {  	[sflag:s29] =	ssyncadd.s32 $0xFFFFFFFF  }
0xb4: {  	_ =	strace $0x90000048  }
0xb5: {  	_ =	sfence  }
0xb6: {  	s30 =	sld [smem:$0x0];
	_ =	sdelay $0x2  }
0xb7: {  	s31 =	sshll.u32 s1, $0xD;
	s1 =	sshrl.u32 s1, $0x2  }
0xb8: {  	s3 =	sand.u32 $0x4000, s31;
	s1 =	sadd.s32 s1, s30  }
0xb9: {  	s0 =	sor.u32 s3, s0;
	s1 =	sshll.u32 s1, $0x11  }
0xba: {  	s0 =	sor.u32 s1, s0  }
0xbb: {  	s0 =	sadd.s32 $0x8F2B, s0  }
0xbc: {  	[sflag:s0] =	ssyncadd.remote.s32 $0x1  }
0xbd: {  	_ =	sfence.sel $0xFFFF  }
0xbe: {  	[dreg:$0x0] =	wrdreg $0xFFFFFFFF;
	(pc) =	sbr.abs _section_cstart, $3  }
0xbf: {  	[dreg:$0x1] =	wrdreg $0xFFFFFFFF  }
0xc0: {  	_ =	task.clear_ibuf [dreg:s6], $0x2FFFF;
	_ =	strace $0x9FFFFFFF  }
0xc1: {  	(tm) =	ssettm $0x7FFFFFFF  }
tec
execute0_lowered:
.L_overlay_start_1:
0x0: {  	(tag) =	ssettag $0x1  }
0x1: {  	s1 =	srdreg.scid;
	s0 =	stileid.u32  }
0x2: {  	s13 =	sand.u32 $0x1, s1;
	s31 =	sshll.u32 s0, $0x1  }
0x3: {  	s6 =	sor.u32 s13, s31  }
0x4: {  	s9 =	rddreg [dreg:$0x0];
	s3 =	smul.u32 $0x1A0, s6  }
0x5: {  	s2 =	simm.s32 $0x0;
	s1 =	rddreg [dreg:$0x1]  }
0x6: {  	[smem:$0x7FF] =	sst s2;
	s3 =	sadd.s32 s3, s9  }
0x7: {  	_ =	strace $0x80000047;
	s4 =	sadd.s32 $0x12600, s3;
	s3 =	simm.s32 $0x2  }
0x8: {  	[tilespmem:s2], [sflag:$0x2] =	stream.linear.gather [hbm4b:s4+s2], $0xD00, $0x38;
	[tilespmem:$0x1AD00] =	vst v63  }
0x9: {  	s7 =	simm.s32 $0xD00;
	_ =	swait.ge [sflag:s3], $0xD00  }
0xa: {  	s8 =	simm.s32 $0x1;
	s5 =	sadd.s32 $0x27AEA00, s9;
	[sflag:s3] =	ssyncset.done $0x0  }
0xb: {  	s10 =	smul.u32 $0xD000, s6;
	s6 =	simm.s32 $0x340;
	[sflag:s3] =	ssyncadd.s32 $0xFFFFF300  }
0xc: {  	[tilespmem:s7], [sflag:$0x1] =	stream.indirect.gather [hbm4b:s5+s6], $0x80, s2, s6, $0xb8;
	[tilespmem:$0x1AD00] =	vst v63  }
0xd: {  	_ =	swait.ge [sflag:s8], $0x1A000  }
0xe: {  	s14 =	sadd.s32 s10, s9;
	[sflag:s8] =	ssyncset.done $0x0  }
0xf: {  	s9 =	sadd.s32 $0x15A00, s14;
	[sflag:s8] =	ssyncadd.s32 $0xFFFE6000  }
0x10: {  	[hbm4b:s9+s2] =	stream.linear.scatter [tilespmem:s7], [sflag:$0x2], $0x1A000, $0x38;
	[tilespmem:$0x1AD00] =	vst v63  }
0x11: {  	_ =	swait.ge [sflag:s3], $0x1A000  }
0x12: {  	[sflag:s3] =	ssyncset.done $0x0  }
0x13: {  	[sflag:s3] =	ssyncadd.s32 $0xFFFE6000  }
0x14: {  	[tilespmem:s7], [sflag:$0x1] =	stream.indirect.gather [hbm4b:s5+s6], $0x80, s6, s6, $0xb8;
	[tilespmem:$0x1AD00] =	vst v63  }
0x15: {  	_ =	swait.ge [sflag:s8], $0x1A000  }
0x16: {  	[sflag:s8] =	ssyncset.done $0x0  }
0x17: {  	s10 =	sadd.s32 $0x18E00, s14;
	[sflag:s8] =	ssyncadd.s32 $0xFFFE6000  }
0x18: {  	[hbm4b:s10+s2] =	stream.linear.scatter [tilespmem:s7], [sflag:$0x2], $0x1A000, $0x38;
	[tilespmem:$0x1AD00] =	vst v63  }
0x19: {  	_ =	swait.ge [sflag:s3], $0x1A000  }
0x1a: {  	[sflag:s3] =	ssyncset.done $0x0  }
0x1b: {  	s11 =	simm.s32 $0x680;
	[sflag:s3] =	ssyncadd.s32 $0xFFFE6000  }
0x1c: {  	[tilespmem:s7], [sflag:$0x1] =	stream.indirect.gather [hbm4b:s5+s6], $0x80, s11, s6, $0xb8;
	[tilespmem:$0x1AD00] =	vst v63  }
0x1d: {  	_ =	swait.ge [sflag:s8], $0x1A000  }
0x1e: {  	[sflag:s8] =	ssyncset.done $0x0  }
0x1f: {  	s15 =	ssub.s32 $0x2, s13;
	s12 =	sadd.s32 $0x1C200, s14;
	[sflag:s8] =	ssyncadd.s32 $0xFFFE6000  }
0x20: {  	[hbm4b:s12+s2] =	stream.linear.scatter [tilespmem:s7], [sflag:$0x2], $0x1A000, $0x38;
	[tilespmem:$0x1AD00] =	vst v63  }
0x21: {  	s16 =	sshrl.u32 s15, $0x1;
	_ =	swait.ge [sflag:s3], $0x1A000  }
0x22: {  	s15 =	ssub.s32 s15, s16;
	[sflag:s3] =	ssyncset.done $0x0  }
0x23: {  	s13 =	simm.s32 $0x9C0;
	s15 =	smax.u32 s15, $0x1;
	[sflag:s3] =	ssyncadd.s32 $0xFFFE6000  }
0x24: {  	[tilespmem:s7], [sflag:$0x1] =	stream.indirect.gather [hbm4b:s5+s6], $0x80, s13, s6, $0xb8;
	[tilespmem:$0x1AD00] =	vst v63  }
0x25: {  	p0 =	sne.s32 s15, $0x1;
	_ =	swait.ge [sflag:s8], $0x1A000  }
.Ltmp0:
0x26: {  	[sflag:s8] =	ssyncset.done $0x0;
	(pc) =	sbr.rel @!p0 .LBB2_2-.Ltmp0, $4  }
0x27: {  	s14 =	sadd.s32 $0x1F600, s14;
	[sflag:s8] =	ssyncadd.s32 $0xFFFE6000  }
0x28: {  	[hbm4b:s14+s2] =	stream.linear.scatter [tilespmem:s7], [sflag:$0x2], $0x1A000, $0x38;
	[tilespmem:$0x1AD00] =	vst v63  }
0x29: {  	_ =	swait.ge [sflag:s3], $0x1A000  }
0x2a: {  	s15 =	sadd.s32 $0xFFFFFFFF, s15;
	[sflag:s3] =	ssyncset.done $0x0  }
.LBB2_1:
0x2b: {  	p0 =	sne.s32 s15, $0x1;
	s15 =	sadd.s32 $0xFFFFFFFF, s15;
	[sflag:s3] =	ssyncadd.s32 $0xFFFE6000  }
0x2c: {  	[tilespmem:s2], [sflag:$0x2] =	stream.linear.gather [hbm4b:s4+s2], $0xD00, $0x38;
	[tilespmem:$0x1AD00] =	vst v63  }
0x2d: {  	_ =	swait.ge [sflag:s3], $0xD00  }
0x2e: {  	[sflag:s3] =	ssyncset.done $0x0  }
0x2f: {  	[sflag:s3] =	ssyncadd.s32 $0xFFFFF300  }
0x30: {  	[tilespmem:s7], [sflag:$0x1] =	stream.indirect.gather [hbm4b:s5+s6], $0x80, s2, s6, $0xb8;
	[tilespmem:$0x1AD00] =	vst v63  }
0x31: {  	_ =	swait.ge [sflag:s8], $0x1A000  }
0x32: {  	[sflag:s8] =	ssyncset.done $0x0  }
0x33: {  	[sflag:s8] =	ssyncadd.s32 $0xFFFE6000  }
0x34: {  	[hbm4b:s9+s2] =	stream.linear.scatter [tilespmem:s7], [sflag:$0x2], $0x1A000, $0x38;
	[tilespmem:$0x1AD00] =	vst v63  }
0x35: {  	_ =	swait.ge [sflag:s3], $0x1A000  }
0x36: {  	[sflag:s3] =	ssyncset.done $0x0  }
0x37: {  	[sflag:s3] =	ssyncadd.s32 $0xFFFE6000  }
0x38: {  	[tilespmem:s7], [sflag:$0x1] =	stream.indirect.gather [hbm4b:s5+s6], $0x80, s6, s6, $0xb8;
	[tilespmem:$0x1AD00] =	vst v63  }
0x39: {  	_ =	swait.ge [sflag:s8], $0x1A000  }
0x3a: {  	[sflag:s8] =	ssyncset.done $0x0  }
0x3b: {  	[sflag:s8] =	ssyncadd.s32 $0xFFFE6000  }
0x3c: {  	[hbm4b:s10+s2] =	stream.linear.scatter [tilespmem:s7], [sflag:$0x2], $0x1A000, $0x38;
	[tilespmem:$0x1AD00] =	vst v63  }
0x3d: {  	_ =	swait.ge [sflag:s3], $0x1A000  }
0x3e: {  	[sflag:s3] =	ssyncset.done $0x0  }
0x3f: {  	[sflag:s3] =	ssyncadd.s32 $0xFFFE6000  }
0x40: {  	[tilespmem:s7], [sflag:$0x1] =	stream.indirect.gather [hbm4b:s5+s6], $0x80, s11, s6, $0xb8;
	[tilespmem:$0x1AD00] =	vst v63  }
0x41: {  	_ =	swait.ge [sflag:s8], $0x1A000  }
0x42: {  	[sflag:s8] =	ssyncset.done $0x0  }
0x43: {  	[sflag:s8] =	ssyncadd.s32 $0xFFFE6000  }
0x44: {  	[hbm4b:s12+s2] =	stream.linear.scatter [tilespmem:s7], [sflag:$0x2], $0x1A000, $0x38;
	[tilespmem:$0x1AD00] =	vst v63  }
0x45: {  	_ =	swait.ge [sflag:s3], $0x1A000  }
0x46: {  	[sflag:s3] =	ssyncset.done $0x0  }
0x47: {  	[sflag:s3] =	ssyncadd.s32 $0xFFFE6000  }
0x48: {  	[tilespmem:s7], [sflag:$0x1] =	stream.indirect.gather [hbm4b:s5+s6], $0x80, s13, s6, $0xb8;
	[tilespmem:$0x1AD00] =	vst v63  }
0x49: {  	_ =	swait.ge [sflag:s8], $0x1A000  }
.Ltmp1:
0x4a: {  	[sflag:s8] =	ssyncset.done $0x0;
	(pc) =	sbr.rel @p0 .LBB2_1-.Ltmp1, $4  }
0x4b: {  	[sflag:s8] =	ssyncadd.s32 $0xFFFE6000  }
0x4c: {  	[hbm4b:s14+s2] =	stream.linear.scatter [tilespmem:s7], [sflag:$0x2], $0x1A000, $0x38;
	[tilespmem:$0x1AD00] =	vst v63  }
0x4d: {  	_ =	swait.ge [sflag:s3], $0x1A000  }
0x4e: {  	[sflag:s3] =	ssyncset.done $0x0  }
.LBB2_2:
0x4f: {  	[sflag:s3] =	ssyncadd.s32 $0xFFFE6000  }
0x50: {  	_ =	sfence.sel $0x180000  }
0x51: {  	[bflag:$0x0] =	sbarrier.arrive $0xFFFF  }
0x52: {  	p0 =	sne.s32 s0, $0x0;
	_ =	strace $0x90000047  }
0x53: {  	s0 =	sadd.s32 @!p0 $0x100000, s1;
	[bflag:$0x2] =	sbarrier.arrive $0xFFFF  }
0x54: {  	[sflag:s0] =	ssyncadd.tile.s32 @!p0 $0x1;
	_ =	shalt  }
.Lfunc_end2:
_tile_overlayer_lowered:
.L_overlay_start_2:
0x55: {  	(tag) =	ssettag $0x2  }
0x56: {  	s0 =	rddreg [dreg:$0x0];
	s2 =	stileid.u32  }
0x57: {  	s1 =	rddreg [dreg:$0x1];
	p0 =	sne.s32 s2, $0x0  }
0x58: {  	s3 =	rddreg [dreg:$0x2];
	[bflag:$0x3] =	sbarrier.arrive $0xFFFF;
	s2 =	simm.s32 @!p0 $0x1C02  }
0x59: {  	[timem:s3], [sflag:s2] =	dma.local @!p0 [hbm:s0], s1  }
0x5a: {  	s0 =	simm.s32 @!p0 $0x2  }
0x5b: {  	_ =	swait.ge @!p0 [sflag:s0], s1  }
0x5c: {  	s1 =	ssub.s32 @!p0 $0x0, s1;
	[sflag:s0] =	ssyncset.done @!p0 $0x0  }
0x5d: {  	[sflag:s0] =	ssyncadd.s32 @!p0 s1  }
0x5e: {  	[bflag:$0x3] =	sbarrier.arrive $0xFFFF  }
0x5f: {  	_ =	shalt  }

</sc_bundles>
